<compile_context>
chip_gen: v7x
topology: tpu7x:2x2x1
jax: 0.10.2.dev20260603
libtpu: 0.0.44.dev20260713+nightly
codegen_flags: <defaults>
</compile_context>

<pallas_src>
import functools

import jax
import jax.numpy as jnp
from jax import lax
from jax.experimental import pallas as pl
from jax.experimental.pallas import tpu as pltpu
from jax.experimental.pallas import tpu_sc as plsc

BATCH = 128
SEQ = 8192
EMBED_DIM = 64
VOCAB = 5
PACK = 4
QDIM = EMBED_DIM * PACK
QROWS = VOCAB ** PACK
QROWS_PAD = 632
TOTAL = BATCH * SEQ
QTOTAL = TOTAL // PACK
NUM_WORKERS = 32
QUADS_PER_WORKER = QTOTAL // NUM_WORKERS
NBUF = 4
CHUNK = 64
LANES = 16
GROUPS = QUADS_PER_WORKER // (NBUF * CHUNK)


def _make_sc_embed():
    mesh = plsc.VectorSubcoreMesh(core_axis_name="c", subcore_axis_name="s")

    @functools.partial(
        pl.kernel,
        mesh=mesh,
        out_type=jax.ShapeDtypeStruct((QTOTAL, QDIM), jnp.float32),
        scratch_types=[
            pltpu.VMEM((NBUF, PACK * CHUNK), jnp.int32),
            pltpu.VMEM((NBUF, CHUNK), jnp.int32),
            pltpu.VMEM((NBUF, CHUNK, QDIM), jnp.float32),
            pltpu.VMEM_SHARED((QROWS_PAD, QDIM), jnp.float32),
            pltpu.SemaphoreType.DMA((NBUF,)),
            pltpu.SemaphoreType.DMA((NBUF,)),
            pltpu.SemaphoreType.DMA((NBUF,)),
        ],
        compiler_params=pltpu.CompilerParams(use_tc_tiling_on_sc=False,
                                             needs_layout_passes=False),
    )
    def sc_embed(x_hbm, qtable_hbm, out_hbm, xraw_v, qidx_v, rows_v, qtable_sh,
                 idx_sems, gat_sems, out_sems):
        wid = lax.axis_index("s") * 2 + lax.axis_index("c")
        qbase = wid * QUADS_PER_WORKER
        xbase = qbase * PACK
        qspan = NBUF * CHUNK
        xspan = qspan * PACK

        @pl.when(lax.axis_index("s") == 0)
        def _stage_table():
            pltpu.sync_copy(qtable_hbm, qtable_sh)

        plsc.subcore_barrier()

        for b in range(NBUF):
            pltpu.async_copy(
                x_hbm.at[pl.ds(xbase + b * PACK * CHUNK, PACK * CHUNK)],
                xraw_v.at[b], idx_sems.at[b])

        def compute_qidx(b):
            for jg in range(CHUNK // LANES):
                pos = (lax.iota(jnp.int32, LANES) + jg * LANES) * PACK
                x0 = plsc.load_gather(xraw_v.at[b], [pos])
                x1 = plsc.load_gather(xraw_v.at[b], [pos + 1])
                x2 = plsc.load_gather(xraw_v.at[b], [pos + 2])
                x3 = plsc.load_gather(xraw_v.at[b], [pos + 3])
                q = ((x0 * VOCAB + x1) * VOCAB + x2) * VOCAB + x3
                qidx_v[b, pl.ds(jg * LANES, LANES)] = q

        def group(g, carry):
            goff = qbase + g * qspan
            xoff = xbase + g * xspan
            for b in range(NBUF):
                @pl.when(g > 0)
                def _wait_out(b=b, goff=goff):
                    pltpu.make_async_copy(
                        rows_v.at[b],
                        out_hbm.at[pl.ds(goff - qspan + b * CHUNK, CHUNK)],
                        out_sems.at[b]).wait()

                pltpu.make_async_copy(
                    x_hbm.at[pl.ds(xoff + b * PACK * CHUNK, PACK * CHUNK)],
                    xraw_v.at[b], idx_sems.at[b]).wait()
                compute_qidx(b)
                pltpu.async_copy(qtable_sh.at[qidx_v.at[b]], rows_v.at[b],
                                 gat_sems.at[b])
            for b in range(NBUF):
                pltpu.make_async_copy(qtable_sh.at[qidx_v.at[b]],
                                      rows_v.at[b], gat_sems.at[b]).wait()
                pltpu.async_copy(rows_v.at[b],
                                 out_hbm.at[pl.ds(goff + b * CHUNK, CHUNK)],
                                 out_sems.at[b])

                @pl.when(g + 1 < GROUPS)
                def _next_idx(b=b, xoff=xoff):
                    pltpu.async_copy(
                        x_hbm.at[pl.ds(xoff + xspan + b * PACK * CHUNK,
                                       PACK * CHUNK)],
                        xraw_v.at[b], idx_sems.at[b])
            return carry

        lax.fori_loop(0, GROUPS, group, 0)

        last = qbase + (GROUPS - 1) * qspan
        for b in range(NBUF):
            pltpu.make_async_copy(
                rows_v.at[b], out_hbm.at[pl.ds(last + b * CHUNK, CHUNK)],
                out_sems.at[b]).wait()

    return sc_embed


_sc_embed = _make_sc_embed()


def _quad_table(table):
    v = VOCAB
    a = jnp.broadcast_to(table[:, None, None, None, :], (v, v, v, v, EMBED_DIM))
    b = jnp.broadcast_to(table[None, :, None, None, :], (v, v, v, v, EMBED_DIM))
    c = jnp.broadcast_to(table[None, None, :, None, :], (v, v, v, v, EMBED_DIM))
    d = jnp.broadcast_to(table[None, None, None, :, :], (v, v, v, v, EMBED_DIM))
    qt = jnp.concatenate([a, b, c, d], axis=-1).reshape(QROWS, QDIM)
    pad = jnp.zeros((QROWS_PAD - QROWS, QDIM), jnp.float32)
    return jnp.concatenate([qt, pad], axis=0)


def kernel(x, table):
    out = _sc_embed(x.reshape(TOTAL), _quad_table(table))
    return out.reshape(BATCH, SEQ, EMBED_DIM)

# --- scband reference (transcript-rebuilt; emitter-appended) ---
"""Pipeline reference for scband-nucleotide-embedding-88811333746748 (READ-ONLY COPY).

The authoritative reference and input builder live on the scoring server;
editing this copy changes nothing except your own understanding.
"""

import jax, jax.numpy as jnp
import numpy as np

EMBED_DIM = 64
VOCAB = 5
BATCH = 128
SEQ = 8192

def setup_inputs(seed: int = 0) -> dict:
    key = jax.random.key(seed)
    k1, k2 = jax.random.split(key)
    x = jax.random.randint(k1, (BATCH, SEQ), 0, VOCAB, dtype=jnp.int32)
    # nn.Embedding default init: N(0, 1)
    table = jax.random.normal(k2, (VOCAB, EMBED_DIM), dtype=jnp.float32)
    return {"x": x, "table": table}

def reference(x, table):
    # embedding lookup: gather rows of table by index
    return jnp.take(table, x, axis=0)

if __name__ == "__main__":
    import jax
    _d = setup_inputs()
    print(jax.jit(kernel)(*tuple(_d.values())))

</pallas_src>

<mosaic_0001>
#map = affine_map<(d0, d1) -> (0)>
#map1 = affine_map<(d0, d1) -> (0, 0)>
module attributes {stable_mosaic.version = 14 : i64} {
  func.func @sc_embed(%arg0: i32, %arg1: i32, %arg2: memref<1048576xi32, #tpu.memory_space<hbm>>, %arg3: memref<632x256xf32, #tpu.memory_space<hbm>>, %arg4: memref<262144x256xf32, #tpu.memory_space<hbm>>, %arg5: memref<4x256xi32, #tpu.memory_space<vmem>>, %arg6: memref<4x64xi32, #tpu.memory_space<vmem>>, %arg7: memref<4x64x256xf32, #tpu.memory_space<vmem>>, %arg8: memref<632x256xf32, #tpu.memory_space<vmem_shared>>, %arg9: memref<4x!tpu.dma_semaphore, #tpu.memory_space<semaphore_mem>>, %arg10: memref<4x!tpu.dma_semaphore, #tpu.memory_space<semaphore_mem>>, %arg11: memref<4x!tpu.dma_semaphore, #tpu.memory_space<semaphore_mem>>) attributes {dimension_semantics = [#tpu.dimension_semantics<core_parallel>, #tpu.dimension_semantics<subcore_parallel>], iteration_bounds = array<i64: 2, 16>, scalar_prefetch = 0 : i64, scratch_operands = 7 : i64, tpu.core_type = #tpu.core_type<sc_vector_subcore>, window_params = [{transform_indices = #map}, {transform_indices = #map1}, {transform_indices = #map1}]} {
    %mul3A = arith.constant 2 : i32
    %mul3A_0 = arith.muli %arg1, %mul3A : i32
    %add3A = arith.addi %mul3A_0, %arg0 : i32
    %mul3A_1 = arith.constant 8192 : i32
    %mul3A_2 = arith.muli %add3A, %mul3A_1 : i32
    %mul3A_3 = arith.constant 4 : i32
    %mul3A_4 = arith.muli %mul3A_2, %mul3A_3 : i32
    %eq3A = arith.constant 0 : i32
    %eq3A_5 = arith.cmpi eq, %arg1, %eq3A : i32
    %convert_element_type3A = arith.extui %eq3A_5 : i1 to i32
    %cond3A = arith.constant 0 : i32
    %cond3A_6 = arith.cmpi ne, %convert_element_type3A, %cond3A : i32
    scf.if %cond3A_6 {
      "tpu.region"() ({
        %run_scoped3A = tpu.sem_alloc : memref<!tpu.dma_semaphore, #tpu.memory_space<semaphore_mem>>
        tpu.enqueue_dma source(%arg3 : memref<632x256xf32, #tpu.memory_space<hbm>>) target(%arg8 : memref<632x256xf32, #tpu.memory_space<vmem_shared>>) target_semaphore(%run_scoped3A : memref<!tpu.dma_semaphore, #tpu.memory_space<semaphore_mem>>)
        tpu.wait_dma2 semaphore(%run_scoped3A : memref<!tpu.dma_semaphore, #tpu.memory_space<semaphore_mem>>) src(%arg3 : memref<632x256xf32, #tpu.memory_space<hbm>>) dst(%arg8 : memref<632x256xf32, #tpu.memory_space<vmem_shared>>)
        tpu.yield
      }) : () -> ()
    } else {
    }
    %barrier3A = arith.constant 0 : index
    tpu.barrier barrier_id(%barrier3A)
    %add3A_7 = arith.constant 0 : i32
    %add3A_8 = arith.addi %mul3A_4, %add3A_7 : i32
    %dma_start3A = arith.constant 0 : i32
    %dma_start3A_9 = arith.constant 0 : i32
    %dma_start3A_10 = arith.constant 0 : i32
    %dma_start3A_11 = tpu.memref_slice %arg5[%dma_start3A, %dma_start3A_10] : memref<4x256xi32, #tpu.memory_space<vmem>> -> memref<1x256xi32, #tpu.memory_space<vmem>>
    %dma_start3A_12 = tpu.memref_squeeze %dma_start3A_11 : memref<1x256xi32, #tpu.memory_space<vmem>> -> memref<256xi32, #tpu.memory_space<vmem>>
    %dma_start3A_13 = tpu.memref_slice %arg2[%add3A_8] : memref<1048576xi32, #tpu.memory_space<hbm>> -> memref<256xi32, #tpu.memory_space<hbm>>
    %dma_start3A_14 = tpu.memref_slice %arg9[%dma_start3A_9] : memref<4x!tpu.dma_semaphore, #tpu.memory_space<semaphore_mem>> -> memref<1x!tpu.dma_semaphore, #tpu.memory_space<semaphore_mem>>
    %dma_start3A_15 = tpu.memref_squeeze %dma_start3A_14 : memref<1x!tpu.dma_semaphore, #tpu.memory_space<semaphore_mem>> -> memref<!tpu.dma_semaphore, #tpu.memory_space<semaphore_mem>>
    %dma_start3A_16 = arith.constant 0 : i32
    %dma_start3A_17 = tpu.memref_slice %arg5[%dma_start3A, %dma_start3A_16] : memref<4x256xi32, #tpu.memory_space<vmem>> -> memref<1x256xi32, #tpu.memory_space<vmem>>
    %dma_start3A_18 = tpu.memref_squeeze %dma_start3A_17 : memref<1x256xi32, #tpu.memory_space<vmem>> -> memref<256xi32, #tpu.memory_space<vmem>>
    %dma_start3A_19 = tpu.memref_slice %arg2[%add3A_8] : memref<1048576xi32, #tpu.memory_space<hbm>> -> memref<256xi32, #tpu.memory_space<hbm>>
    tpu.enqueue_dma source(%dma_start3A_19 : memref<256xi32, #tpu.memory_space<hbm>>) target(%dma_start3A_18 : memref<256xi32, #tpu.memory_space<vmem>>) target_semaphore(%dma_start3A_15 : memref<!tpu.dma_semaphore, #tpu.memory_space<semaphore_mem>>)
    %add3A_20 = arith.constant 256 : i32
    %add3A_21 = arith.addi %mul3A_4, %add3A_20 : i32
    %dma_start3A_22 = arith.constant 1 : i32
    %dma_start3A_23 = arith.constant 1 : i32
    %dma_start3A_24 = arith.constant 0 : i32
    %dma_start3A_25 = tpu.memref_slice %arg5[%dma_start3A_22, %dma_start3A_24] : memref<4x256xi32, #tpu.memory_space<vmem>> -> memref<1x256xi32, #tpu.memory_space<vmem>>
    %dma_start3A_26 = tpu.memref_squeeze %dma_start3A_25 : memref<1x256xi32, #tpu.memory_space<vmem>> -> memref<256xi32, #tpu.memory_space<vmem>>
    %dma_start3A_27 = tpu.memref_slice %arg2[%add3A_21] : memref<1048576xi32, #tpu.memory_space<hbm>> -> memref<256xi32, #tpu.memory_space<hbm>>
    %dma_start3A_28 = tpu.memref_slice %arg9[%dma_start3A_23] : memref<4x!tpu.dma_semaphore, #tpu.memory_space<semaphore_mem>> -> memref<1x!tpu.dma_semaphore, #tpu.memory_space<semaphore_mem>>
    %dma_start3A_29 = tpu.memref_squeeze %dma_start3A_28 : memref<1x!tpu.dma_semaphore, #tpu.memory_space<semaphore_mem>> -> memref<!tpu.dma_semaphore, #tpu.memory_space<semaphore_mem>>
    %dma_start3A_30 = arith.constant 0 : i32
    %dma_start3A_31 = tpu.memref_slice %arg5[%dma_start3A_22, %dma_start3A_30] : memref<4x256xi32, #tpu.memory_space<vmem>> -> memref<1x256xi32, #tpu.memory_space<vmem>>
    %dma_start3A_32 = tpu.memref_squeeze %dma_start3A_31 : memref<1x256xi32, #tpu.memory_space<vmem>> -> memref<256xi32, #tpu.memory_space<vmem>>
    %dma_start3A_33 = tpu.memref_slice %arg2[%add3A_21] : memref<1048576xi32, #tpu.memory_space<hbm>> -> memref<256xi32, #tpu.memory_space<hbm>>
    tpu.enqueue_dma source(%dma_start3A_33 : memref<256xi32, #tpu.memory_space<hbm>>) target(%dma_start3A_32 : memref<256xi32, #tpu.memory_space<vmem>>) target_semaphore(%dma_start3A_29 : memref<!tpu.dma_semaphore, #tpu.memory_space<semaphore_mem>>)
    %add3A_34 = arith.constant 512 : i32
    %add3A_35 = arith.addi %mul3A_4, %add3A_34 : i32
    %dma_start3A_36 = arith.constant 2 : i32
    %dma_start3A_37 = arith.constant 2 : i32
    %dma_start3A_38 = arith.constant 0 : i32
    %dma_start3A_39 = tpu.memref_slice %arg5[%dma_start3A_36, %dma_start3A_38] : memref<4x256xi32, #tpu.memory_space<vmem>> -> memref<1x256xi32, #tpu.memory_space<vmem>>
    %dma_start3A_40 = tpu.memref_squeeze %dma_start3A_39 : memref<1x256xi32, #tpu.memory_space<vmem>> -> memref<256xi32, #tpu.memory_space<vmem>>
    %dma_start3A_41 = tpu.memref_slice %arg2[%add3A_35] : memref<1048576xi32, #tpu.memory_space<hbm>> -> memref<256xi32, #tpu.memory_space<hbm>>
    %dma_start3A_42 = tpu.memref_slice %arg9[%dma_start3A_37] : memref<4x!tpu.dma_semaphore, #tpu.memory_space<semaphore_mem>> -> memref<1x!tpu.dma_semaphore, #tpu.memory_space<semaphore_mem>>
    %dma_start3A_43 = tpu.memref_squeeze %dma_start3A_42 : memref<1x!tpu.dma_semaphore, #tpu.memory_space<semaphore_mem>> -> memref<!tpu.dma_semaphore, #tpu.memory_space<semaphore_mem>>
    %dma_start3A_44 = arith.constant 0 : i32
    %dma_start3A_45 = tpu.memref_slice %arg5[%dma_start3A_36, %dma_start3A_44] : memref<4x256xi32, #tpu.memory_space<vmem>> -> memref<1x256xi32, #tpu.memory_space<vmem>>
    %dma_start3A_46 = tpu.memref_squeeze %dma_start3A_45 : memref<1x256xi32, #tpu.memory_space<vmem>> -> memref<256xi32, #tpu.memory_space<vmem>>
    %dma_start3A_47 = tpu.memref_slice %arg2[%add3A_35] : memref<1048576xi32, #tpu.memory_space<hbm>> -> memref<256xi32, #tpu.memory_space<hbm>>
    tpu.enqueue_dma source(%dma_start3A_47 : memref<256xi32, #tpu.memory_space<hbm>>) target(%dma_start3A_46 : memref<256xi32, #tpu.memory_space<vmem>>) target_semaphore(%dma_start3A_43 : memref<!tpu.dma_semaphore, #tpu.memory_space<semaphore_mem>>)
    %add3A_48 = arith.constant 768 : i32
    %add3A_49 = arith.addi %mul3A_4, %add3A_48 : i32
    %dma_start3A_50 = arith.constant 3 : i32
    %dma_start3A_51 = arith.constant 3 : i32
    %dma_start3A_52 = arith.constant 0 : i32
    %dma_start3A_53 = tpu.memref_slice %arg5[%dma_start3A_50, %dma_start3A_52] : memref<4x256xi32, #tpu.memory_space<vmem>> -> memref<1x256xi32, #tpu.memory_space<vmem>>
    %dma_start3A_54 = tpu.memref_squeeze %dma_start3A_53 : memref<1x256xi32, #tpu.memory_space<vmem>> -> memref<256xi32, #tpu.memory_space<vmem>>
    %dma_start3A_55 = tpu.memref_slice %arg2[%add3A_49] : memref<1048576xi32, #tpu.memory_space<hbm>> -> memref<256xi32, #tpu.memory_space<hbm>>
    %dma_start3A_56 = tpu.memref_slice %arg9[%dma_start3A_51] : memref<4x!tpu.dma_semaphore, #tpu.memory_space<semaphore_mem>> -> memref<1x!tpu.dma_semaphore, #tpu.memory_space<semaphore_mem>>
    %dma_start3A_57 = tpu.memref_squeeze %dma_start3A_56 : memref<1x!tpu.dma_semaphore, #tpu.memory_space<semaphore_mem>> -> memref<!tpu.dma_semaphore, #tpu.memory_space<semaphore_mem>>
    %dma_start3A_58 = arith.constant 0 : i32
    %dma_start3A_59 = tpu.memref_slice %arg5[%dma_start3A_50, %dma_start3A_58] : memref<4x256xi32, #tpu.memory_space<vmem>> -> memref<1x256xi32, #tpu.memory_space<vmem>>
    %dma_start3A_60 = tpu.memref_squeeze %dma_start3A_59 : memref<1x256xi32, #tpu.memory_space<vmem>> -> memref<256xi32, #tpu.memory_space<vmem>>
    %dma_start3A_61 = tpu.memref_slice %arg2[%add3A_49] : memref<1048576xi32, #tpu.memory_space<hbm>> -> memref<256xi32, #tpu.memory_space<hbm>>
    tpu.enqueue_dma source(%dma_start3A_61 : memref<256xi32, #tpu.memory_space<hbm>>) target(%dma_start3A_60 : memref<256xi32, #tpu.memory_space<vmem>>) target_semaphore(%dma_start3A_57 : memref<!tpu.dma_semaphore, #tpu.memory_space<semaphore_mem>>)
    %scan3A = arith.constant 0 : i32
    %scan3A_62 = arith.constant 0 : i32
    %scan3A_63 = arith.constant 32 : i32
    %scan3A_64 = arith.addi %scan3A_62, %scan3A_63 : i32
    %scan3A_65 = arith.constant 1 : i32
    scf.for %scan3A_140 = %scan3A_62 to %scan3A_64 step %scan3A_65  : i32 {
      %mul3A_141 = arith.constant 256 : i32
      %mul3A_142 = arith.muli %scan3A_140, %mul3A_141 : i32
      %add3A_143 = arith.addi %mul3A_2, %mul3A_142 : i32
      %mul3A_144 = arith.constant 1024 : i32
      %mul3A_145 = arith.muli %scan3A_140, %mul3A_144 : i32
      %add3A_146 = arith.addi %mul3A_4, %mul3A_145 : i32
      %gt3A = arith.constant 0 : i32
      %gt3A_147 = arith.cmpi sgt, %scan3A_140, %gt3A : i32
      %convert_element_type3A_148 = arith.extui %gt3A_147 : i1 to i32
      %cond3A_149 = arith.constant 0 : i32
      %cond3A_150 = arith.cmpi ne, %convert_element_type3A_148, %cond3A_149 : i32
      scf.if %cond3A_150 {
        %sub3A = arith.constant 256 : i32
        %sub3A_1270 = arith.subi %add3A_143, %sub3A : i32
        %add3A_1271 = arith.constant 0 : i32
        %add3A_1272 = arith.addi %sub3A_1270, %add3A_1271 : i32
        %dma_wait3A_1273 = arith.constant 0 : i32
        %dma_wait3A_1274 = arith.constant 0 : i32
        %dma_wait3A_1275 = arith.constant 0 : i32
        %dma_wait3A_1276 = arith.constant 0 : i32
        %dma_wait3A_1277 = tpu.memref_slice %arg7[%dma_wait3A_1273, %dma_wait3A_1275, %dma_wait3A_1276] : memref<4x64x256xf32, #tpu.memory_space<vmem>> -> memref<1x64x256xf32, #tpu.memory_space<vmem>>
        %dma_wait3A_1278 = tpu.memref_squeeze %dma_wait3A_1277 : memref<1x64x256xf32, #tpu.memory_space<vmem>> -> memref<64x256xf32, #tpu.memory_space<vmem>>
        %dma_wait3A_1279 = arith.constant 0 : i32
        %dma_wait3A_1280 = tpu.memref_slice %arg4[%add3A_1272, %dma_wait3A_1279] : memref<262144x256xf32, #tpu.memory_space<hbm>> -> memref<64x256xf32, #tpu.memory_space<hbm>>
        %dma_wait3A_1281 = tpu.memref_slice %arg11[%dma_wait3A_1274] : memref<4x!tpu.dma_semaphore, #tpu.memory_space<semaphore_mem>> -> memref<1x!tpu.dma_semaphore, #tpu.memory_space<semaphore_mem>>
        %dma_wait3A_1282 = tpu.memref_squeeze %dma_wait3A_1281 : memref<1x!tpu.dma_semaphore, #tpu.memory_space<semaphore_mem>> -> memref<!tpu.dma_semaphore, #tpu.memory_space<semaphore_mem>>
        %dma_wait3A_1283 = arith.constant 0 : i32
        %dma_wait3A_1284 = tpu.memref_slice %arg4[%add3A_1272, %dma_wait3A_1283] : memref<262144x256xf32, #tpu.memory_space<hbm>> -> memref<64x256xf32, #tpu.memory_space<hbm>>
        %dma_wait3A_1285 = arith.constant 0 : i32
        %dma_wait3A_1286 = arith.constant 0 : i32
        %dma_wait3A_1287 = tpu.memref_slice %arg7[%dma_wait3A_1273, %dma_wait3A_1285, %dma_wait3A_1286] : memref<4x64x256xf32, #tpu.memory_space<vmem>> -> memref<1x64x256xf32, #tpu.memory_space<vmem>>
        %dma_wait3A_1288 = tpu.memref_squeeze %dma_wait3A_1287 : memref<1x64x256xf32, #tpu.memory_space<vmem>> -> memref<64x256xf32, #tpu.memory_space<vmem>>
        tpu.wait_dma2 semaphore(%dma_wait3A_1282 : memref<!tpu.dma_semaphore, #tpu.memory_space<semaphore_mem>>) src(%dma_wait3A_1288 : memref<64x256xf32, #tpu.memory_space<vmem>>) dst(%dma_wait3A_1284 : memref<64x256xf32, #tpu.memory_space<hbm>>)
      } else {
      }
      %add3A_151 = arith.constant 0 : i32
      %add3A_152 = arith.addi %add3A_146, %add3A_151 : i32
      %dma_wait3A_153 = arith.constant 0 : i32
      %dma_wait3A_154 = arith.constant 0 : i32
      %dma_wait3A_155 = arith.constant 0 : i32
      %dma_wait3A_156 = tpu.memref_slice %arg5[%dma_wait3A_153, %dma_wait3A_155] : memref<4x256xi32, #tpu.memory_space<vmem>> -> memref<1x256xi32, #tpu.memory_space<vmem>>
      %dma_wait3A_157 = tpu.memref_squeeze %dma_wait3A_156 : memref<1x256xi32, #tpu.memory_space<vmem>> -> memref<256xi32, #tpu.memory_space<vmem>>
      %dma_wait3A_158 = tpu.memref_slice %arg2[%add3A_152] : memref<1048576xi32, #tpu.memory_space<hbm>> -> memref<256xi32, #tpu.memory_space<hbm>>
      %dma_wait3A_159 = tpu.memref_slice %arg9[%dma_wait3A_154] : memref<4x!tpu.dma_semaphore, #tpu.memory_space<semaphore_mem>> -> memref<1x!tpu.dma_semaphore, #tpu.memory_space<semaphore_mem>>
      %dma_wait3A_160 = tpu.memref_squeeze %dma_wait3A_159 : memref<1x!tpu.dma_semaphore, #tpu.memory_space<semaphore_mem>> -> memref<!tpu.dma_semaphore, #tpu.memory_space<semaphore_mem>>
      %dma_wait3A_161 = arith.constant 0 : i32
      %dma_wait3A_162 = tpu.memref_slice %arg5[%dma_wait3A_153, %dma_wait3A_161] : memref<4x256xi32, #tpu.memory_space<vmem>> -> memref<1x256xi32, #tpu.memory_space<vmem>>
      %dma_wait3A_163 = tpu.memref_squeeze %dma_wait3A_162 : memref<1x256xi32, #tpu.memory_space<vmem>> -> memref<256xi32, #tpu.memory_space<vmem>>
      %dma_wait3A_164 = tpu.memref_slice %arg2[%add3A_152] : memref<1048576xi32, #tpu.memory_space<hbm>> -> memref<256xi32, #tpu.memory_space<hbm>>
      tpu.wait_dma2 semaphore(%dma_wait3A_160 : memref<!tpu.dma_semaphore, #tpu.memory_space<semaphore_mem>>) src(%dma_wait3A_164 : memref<256xi32, #tpu.memory_space<hbm>>) dst(%dma_wait3A_163 : memref<256xi32, #tpu.memory_space<vmem>>)
      %iota3A = tpu.iota {dimensions = array<i32: 0>} : vector<16xi32>
      %add3A_165 = arith.constant 0 : i32
      %add3A_166 = vector.broadcast %add3A_165 : i32 to vector<16xi32>
      %add3A_167 = arith.addi %iota3A, %add3A_166 : vector<16xi32>
      %mul3A_168 = arith.constant 4 : i32
      %mul3A_169 = vector.broadcast %mul3A_168 : i32 to vector<16xi32>
      %mul3A_170 = arith.muli %add3A_167, %mul3A_169 : vector<16xi32>
      %gather3A = arith.constant 0 : i32
      %gather3A_171 = arith.constant 0 : i32
      %gather3A_172 = tpu.memref_slice %arg5[%gather3A, %gather3A_171] : memref<4x256xi32, #tpu.memory_space<vmem>> -> memref<1x256xi32, #tpu.memory_space<vmem>>
      %gather3A_173 = tpu.memref_squeeze %gather3A_172 : memref<1x256xi32, #tpu.memory_space<vmem>> -> memref<256xi32, #tpu.memory_space<vmem>>
      %gather3A_174 = tpu.vector_load_idx %gather3A_173[%mul3A_170] : memref<256xi32, #tpu.memory_space<vmem>>[vector<16xi32>], vector<16xi32>,
      %add3A_175 = arith.constant 1 : i32
      %add3A_176 = vector.broadcast %add3A_175 : i32 to vector<16xi32>
      %add3A_177 = arith.addi %mul3A_170, %add3A_176 : vector<16xi32>
      %gather3A_178 = arith.constant 0 : i32
      %gather3A_179 = arith.constant 0 : i32
      %gather3A_180 = tpu.memref_slice %arg5[%gather3A_178, %gather3A_179] : memref<4x256xi32, #tpu.memory_space<vmem>> -> memref<1x256xi32, #tpu.memory_space<vmem>>
      %gather3A_181 = tpu.memref_squeeze %gather3A_180 : memref<1x256xi32, #tpu.memory_space<vmem>> -> memref<256xi32, #tpu.memory_space<vmem>>
      %gather3A_182 = tpu.vector_load_idx %gather3A_181[%add3A_177] : memref<256xi32, #tpu.memory_space<vmem>>[vector<16xi32>], vector<16xi32>,
      %add3A_183 = arith.constant 2 : i32
      %add3A_184 = vector.broadcast %add3A_183 : i32 to vector<16xi32>
      %add3A_185 = arith.addi %mul3A_170, %add3A_184 : vector<16xi32>
      %gather3A_186 = arith.constant 0 : i32
      %gather3A_187 = arith.constant 0 : i32
      %gather3A_188 = tpu.memref_slice %arg5[%gather3A_186, %gather3A_187] : memref<4x256xi32, #tpu.memory_space<vmem>> -> memref<1x256xi32, #tpu.memory_space<vmem>>
      %gather3A_189 = tpu.memref_squeeze %gather3A_188 : memref<1x256xi32, #tpu.memory_space<vmem>> -> memref<256xi32, #tpu.memory_space<vmem>>
      %gather3A_190 = tpu.vector_load_idx %gather3A_189[%add3A_185] : memref<256xi32, #tpu.memory_space<vmem>>[vector<16xi32>], vector<16xi32>,
      %add3A_191 = arith.constant 3 : i32
      %add3A_192 = vector.broadcast %add3A_191 : i32 to vector<16xi32>
      %add3A_193 = arith.addi %mul3A_170, %add3A_192 : vector<16xi32>
      %gather3A_194 = arith.constant 0 : i32
      %gather3A_195 = arith.constant 0 : i32
      %gather3A_196 = tpu.memref_slice %arg5[%gather3A_194, %gather3A_195] : memref<4x256xi32, #tpu.memory_space<vmem>> -> memref<1x256xi32, #tpu.memory_space<vmem>>
      %gather3A_197 = tpu.memref_squeeze %gather3A_196 : memref<1x256xi32, #tpu.memory_space<vmem>> -> memref<256xi32, #tpu.memory_space<vmem>>
      %gather3A_198 = tpu.vector_load_idx %gather3A_197[%add3A_193] : memref<256xi32, #tpu.memory_space<vmem>>[vector<16xi32>], vector<16xi32>,
      %mul3A_199 = arith.constant 5 : i32
      %mul3A_200 = vector.broadcast %mul3A_199 : i32 to vector<16xi32>
      %mul3A_201 = arith.muli %gather3A_174, %mul3A_200 : vector<16xi32>
      %add3A_202 = arith.addi %mul3A_201, %gather3A_182 : vector<16xi32>
      %mul3A_203 = arith.constant 5 : i32
      %mul3A_204 = vector.broadcast %mul3A_203 : i32 to vector<16xi32>
      %mul3A_205 = arith.muli %add3A_202, %mul3A_204 : vector<16xi32>
      %add3A_206 = arith.addi %mul3A_205, %gather3A_190 : vector<16xi32>
      %mul3A_207 = arith.constant 5 : i32
      %mul3A_208 = vector.broadcast %mul3A_207 : i32 to vector<16xi32>
      %mul3A_209 = arith.muli %add3A_206, %mul3A_208 : vector<16xi32>
      %add3A_210 = arith.addi %mul3A_209, %gather3A_198 : vector<16xi32>
      %swap3A = arith.constant 0 : i32
      %swap3A_211 = arith.index_cast %swap3A : i32 to index
      %swap3A_212 = arith.constant 0 : index
      %swap3A_213 = tpu.vector_load %arg6[%swap3A_211, %swap3A_212] {strides = array<i32>} : memref<4x64xi32, #tpu.memory_space<vmem>>, vector<16xi32>,
      tpu.vector_store %arg6[%swap3A_211, %swap3A_212], %add3A_210 {strides = array<i32>} : memref<4x64xi32, #tpu.memory_space<vmem>>, vector<16xi32>,
      %iota3A_214 = tpu.iota {dimensions = array<i32: 0>} : vector<16xi32>
      %add3A_215 = arith.constant 16 : i32
      %add3A_216 = vector.broadcast %add3A_215 : i32 to vector<16xi32>
      %add3A_217 = arith.addi %iota3A_214, %add3A_216 : vector<16xi32>
      %mul3A_218 = arith.constant 4 : i32
      %mul3A_219 = vector.broadcast %mul3A_218 : i32 to vector<16xi32>
      %mul3A_220 = arith.muli %add3A_217, %mul3A_219 : vector<16xi32>
      %gather3A_221 = arith.constant 0 : i32
      %gather3A_222 = arith.constant 0 : i32
      %gather3A_223 = tpu.memref_slice %arg5[%gather3A_221, %gather3A_222] : memref<4x256xi32, #tpu.memory_space<vmem>> -> memref<1x256xi32, #tpu.memory_space<vmem>>
      %gather3A_224 = tpu.memref_squeeze %gather3A_223 : memref<1x256xi32, #tpu.memory_space<vmem>> -> memref<256xi32, #tpu.memory_space<vmem>>
      %gather3A_225 = tpu.vector_load_idx %gather3A_224[%mul3A_220] : memref<256xi32, #tpu.memory_space<vmem>>[vector<16xi32>], vector<16xi32>,
      %add3A_226 = arith.constant 1 : i32
      %add3A_227 = vector.broadcast %add3A_226 : i32 to vector<16xi32>
      %add3A_228 = arith.addi %mul3A_220, %add3A_227 : vector<16xi32>
      %gather3A_229 = arith.constant 0 : i32
      %gather3A_230 = arith.constant 0 : i32
      %gather3A_231 = tpu.memref_slice %arg5[%gather3A_229, %gather3A_230] : memref<4x256xi32, #tpu.memory_space<vmem>> -> memref<1x256xi32, #tpu.memory_space<vmem>>
      %gather3A_232 = tpu.memref_squeeze %gather3A_231 : memref<1x256xi32, #tpu.memory_space<vmem>> -> memref<256xi32, #tpu.memory_space<vmem>>
      %gather3A_233 = tpu.vector_load_idx %gather3A_232[%add3A_228] : memref<256xi32, #tpu.memory_space<vmem>>[vector<16xi32>], vector<16xi32>,
      %add3A_234 = arith.constant 2 : i32
      %add3A_235 = vector.broadcast %add3A_234 : i32 to vector<16xi32>
      %add3A_236 = arith.addi %mul3A_220, %add3A_235 : vector<16xi32>
      %gather3A_237 = arith.constant 0 : i32
      %gather3A_238 = arith.constant 0 : i32
      %gather3A_239 = tpu.memref_slice %arg5[%gather3A_237, %gather3A_238] : memref<4x256xi32, #tpu.memory_space<vmem>> -> memref<1x256xi32, #tpu.memory_space<vmem>>
      %gather3A_240 = tpu.memref_squeeze %gather3A_239 : memref<1x256xi32, #tpu.memory_space<vmem>> -> memref<256xi32, #tpu.memory_space<vmem>>
      %gather3A_241 = tpu.vector_load_idx %gather3A_240[%add3A_236] : memref<256xi32, #tpu.memory_space<vmem>>[vector<16xi32>], vector<16xi32>,
      %add3A_242 = arith.constant 3 : i32
      %add3A_243 = vector.broadcast %add3A_242 : i32 to vector<16xi32>
      %add3A_244 = arith.addi %mul3A_220, %add3A_243 : vector<16xi32>
      %gather3A_245 = arith.constant 0 : i32
      %gather3A_246 = arith.constant 0 : i32
      %gather3A_247 = tpu.memref_slice %arg5[%gather3A_245, %gather3A_246] : memref<4x256xi32, #tpu.memory_space<vmem>> -> memref<1x256xi32, #tpu.memory_space<vmem>>
      %gather3A_248 = tpu.memref_squeeze %gather3A_247 : memref<1x256xi32, #tpu.memory_space<vmem>> -> memref<256xi32, #tpu.memory_space<vmem>>
      %gather3A_249 = tpu.vector_load_idx %gather3A_248[%add3A_244] : memref<256xi32, #tpu.memory_space<vmem>>[vector<16xi32>], vector<16xi32>,
      %mul3A_250 = arith.constant 5 : i32
      %mul3A_251 = vector.broadcast %mul3A_250 : i32 to vector<16xi32>
      %mul3A_252 = arith.muli %gather3A_225, %mul3A_251 : vector<16xi32>
      %add3A_253 = arith.addi %mul3A_252, %gather3A_233 : vector<16xi32>
      %mul3A_254 = arith.constant 5 : i32
      %mul3A_255 = vector.broadcast %mul3A_254 : i32 to vector<16xi32>
      %mul3A_256 = arith.muli %add3A_253, %mul3A_255 : vector<16xi32>
      %add3A_257 = arith.addi %mul3A_256, %gather3A_241 : vector<16xi32>
      %mul3A_258 = arith.constant 5 : i32
      %mul3A_259 = vector.broadcast %mul3A_258 : i32 to vector<16xi32>
      %mul3A_260 = arith.muli %add3A_257, %mul3A_259 : vector<16xi32>
      %add3A_261 = arith.addi %mul3A_260, %gather3A_249 : vector<16xi32>
      %swap3A_262 = arith.constant 0 : i32
      %swap3A_263 = arith.index_cast %swap3A_262 : i32 to index
      %swap3A_264 = arith.constant 16 : index
      %swap3A_265 = tpu.vector_load %arg6[%swap3A_263, %swap3A_264] {strides = array<i32>} : memref<4x64xi32, #tpu.memory_space<vmem>>, vector<16xi32>,
      tpu.vector_store %arg6[%swap3A_263, %swap3A_264], %add3A_261 {strides = array<i32>} : memref<4x64xi32, #tpu.memory_space<vmem>>, vector<16xi32>,
      %iota3A_266 = tpu.iota {dimensions = array<i32: 0>} : vector<16xi32>
      %add3A_267 = arith.constant 32 : i32
      %add3A_268 = vector.broadcast %add3A_267 : i32 to vector<16xi32>
      %add3A_269 = arith.addi %iota3A_266, %add3A_268 : vector<16xi32>
      %mul3A_270 = arith.constant 4 : i32
      %mul3A_271 = vector.broadcast %mul3A_270 : i32 to vector<16xi32>
      %mul3A_272 = arith.muli %add3A_269, %mul3A_271 : vector<16xi32>
      %gather3A_273 = arith.constant 0 : i32
      %gather3A_274 = arith.constant 0 : i32
      %gather3A_275 = tpu.memref_slice %arg5[%gather3A_273, %gather3A_274] : memref<4x256xi32, #tpu.memory_space<vmem>> -> memref<1x256xi32, #tpu.memory_space<vmem>>
      %gather3A_276 = tpu.memref_squeeze %gather3A_275 : memref<1x256xi32, #tpu.memory_space<vmem>> -> memref<256xi32, #tpu.memory_space<vmem>>
      %gather3A_277 = tpu.vector_load_idx %gather3A_276[%mul3A_272] : memref<256xi32, #tpu.memory_space<vmem>>[vector<16xi32>], vector<16xi32>,
      %add3A_278 = arith.constant 1 : i32
      %add3A_279 = vector.broadcast %add3A_278 : i32 to vector<16xi32>
      %add3A_280 = arith.addi %mul3A_272, %add3A_279 : vector<16xi32>
      %gather3A_281 = arith.constant 0 : i32
      %gather3A_282 = arith.constant 0 : i32
      %gather3A_283 = tpu.memref_slice %arg5[%gather3A_281, %gather3A_282] : memref<4x256xi32, #tpu.memory_space<vmem>> -> memref<1x256xi32, #tpu.memory_space<vmem>>
      %gather3A_284 = tpu.memref_squeeze %gather3A_283 : memref<1x256xi32, #tpu.memory_space<vmem>> -> memref<256xi32, #tpu.memory_space<vmem>>
      %gather3A_285 = tpu.vector_load_idx %gather3A_284[%add3A_280] : memref<256xi32, #tpu.memory_space<vmem>>[vector<16xi32>], vector<16xi32>,
      %add3A_286 = arith.constant 2 : i32
      %add3A_287 = vector.broadcast %add3A_286 : i32 to vector<16xi32>
      %add3A_288 = arith.addi %mul3A_272, %add3A_287 : vector<16xi32>
      %gather3A_289 = arith.constant 0 : i32
      %gather3A_290 = arith.constant 0 : i32
      %gather3A_291 = tpu.memref_slice %arg5[%gather3A_289, %gather3A_290] : memref<4x256xi32, #tpu.memory_space<vmem>> -> memref<1x256xi32, #tpu.memory_space<vmem>>
      %gather3A_292 = tpu.memref_squeeze %gather3A_291 : memref<1x256xi32, #tpu.memory_space<vmem>> -> memref<256xi32, #tpu.memory_space<vmem>>
      %gather3A_293 = tpu.vector_load_idx %gather3A_292[%add3A_288] : memref<256xi32, #tpu.memory_space<vmem>>[vector<16xi32>], vector<16xi32>,
      %add3A_294 = arith.constant 3 : i32
      %add3A_295 = vector.broadcast %add3A_294 : i32 to vector<16xi32>
      %add3A_296 = arith.addi %mul3A_272, %add3A_295 : vector<16xi32>
      %gather3A_297 = arith.constant 0 : i32
      %gather3A_298 = arith.constant 0 : i32
      %gather3A_299 = tpu.memref_slice %arg5[%gather3A_297, %gather3A_298] : memref<4x256xi32, #tpu.memory_space<vmem>> -> memref<1x256xi32, #tpu.memory_space<vmem>>
      %gather3A_300 = tpu.memref_squeeze %gather3A_299 : memref<1x256xi32, #tpu.memory_space<vmem>> -> memref<256xi32, #tpu.memory_space<vmem>>
      %gather3A_301 = tpu.vector_load_idx %gather3A_300[%add3A_296] : memref<256xi32, #tpu.memory_space<vmem>>[vector<16xi32>], vector<16xi32>,
      %mul3A_302 = arith.constant 5 : i32
      %mul3A_303 = vector.broadcast %mul3A_302 : i32 to vector<16xi32>
      %mul3A_304 = arith.muli %gather3A_277, %mul3A_303 : vector<16xi32>
      %add3A_305 = arith.addi %mul3A_304, %gather3A_285 : vector<16xi32>
      %mul3A_306 = arith.constant 5 : i32
      %mul3A_307 = vector.broadcast %mul3A_306 : i32 to vector<16xi32>
      %mul3A_308 = arith.muli %add3A_305, %mul3A_307 : vector<16xi32>
      %add3A_309 = arith.addi %mul3A_308, %gather3A_293 : vector<16xi32>
      %mul3A_310 = arith.constant 5 : i32
      %mul3A_311 = vector.broadcast %mul3A_310 : i32 to vector<16xi32>
      %mul3A_312 = arith.muli %add3A_309, %mul3A_311 : vector<16xi32>
      %add3A_313 = arith.addi %mul3A_312, %gather3A_301 : vector<16xi32>
      %swap3A_314 = arith.constant 0 : i32
      %swap3A_315 = arith.index_cast %swap3A_314 : i32 to index
      %swap3A_316 = arith.constant 32 : index
      %swap3A_317 = tpu.vector_load %arg6[%swap3A_315, %swap3A_316] {strides = array<i32>} : memref<4x64xi32, #tpu.memory_space<vmem>>, vector<16xi32>,
      tpu.vector_store %arg6[%swap3A_315, %swap3A_316], %add3A_313 {strides = array<i32>} : memref<4x64xi32, #tpu.memory_space<vmem>>, vector<16xi32>,
      %iota3A_318 = tpu.iota {dimensions = array<i32: 0>} : vector<16xi32>
      %add3A_319 = arith.constant 48 : i32
      %add3A_320 = vector.broadcast %add3A_319 : i32 to vector<16xi32>
      %add3A_321 = arith.addi %iota3A_318, %add3A_320 : vector<16xi32>
      %mul3A_322 = arith.constant 4 : i32
      %mul3A_323 = vector.broadcast %mul3A_322 : i32 to vector<16xi32>
      %mul3A_324 = arith.muli %add3A_321, %mul3A_323 : vector<16xi32>
      %gather3A_325 = arith.constant 0 : i32
      %gather3A_326 = arith.constant 0 : i32
      %gather3A_327 = tpu.memref_slice %arg5[%gather3A_325, %gather3A_326] : memref<4x256xi32, #tpu.memory_space<vmem>> -> memref<1x256xi32, #tpu.memory_space<vmem>>
      %gather3A_328 = tpu.memref_squeeze %gather3A_327 : memref<1x256xi32, #tpu.memory_space<vmem>> -> memref<256xi32, #tpu.memory_space<vmem>>
      %gather3A_329 = tpu.vector_load_idx %gather3A_328[%mul3A_324] : memref<256xi32, #tpu.memory_space<vmem>>[vector<16xi32>], vector<16xi32>,
      %add3A_330 = arith.constant 1 : i32
      %add3A_331 = vector.broadcast %add3A_330 : i32 to vector<16xi32>
      %add3A_332 = arith.addi %mul3A_324, %add3A_331 : vector<16xi32>
      %gather3A_333 = arith.constant 0 : i32
      %gather3A_334 = arith.constant 0 : i32
      %gather3A_335 = tpu.memref_slice %arg5[%gather3A_333, %gather3A_334] : memref<4x256xi32, #tpu.memory_space<vmem>> -> memref<1x256xi32, #tpu.memory_space<vmem>>
      %gather3A_336 = tpu.memref_squeeze %gather3A_335 : memref<1x256xi32, #tpu.memory_space<vmem>> -> memref<256xi32, #tpu.memory_space<vmem>>
      %gather3A_337 = tpu.vector_load_idx %gather3A_336[%add3A_332] : memref<256xi32, #tpu.memory_space<vmem>>[vector<16xi32>], vector<16xi32>,
      %add3A_338 = arith.constant 2 : i32
      %add3A_339 = vector.broadcast %add3A_338 : i32 to vector<16xi32>
      %add3A_340 = arith.addi %mul3A_324, %add3A_339 : vector<16xi32>
      %gather3A_341 = arith.constant 0 : i32
      %gather3A_342 = arith.constant 0 : i32
      %gather3A_343 = tpu.memref_slice %arg5[%gather3A_341, %gather3A_342] : memref<4x256xi32, #tpu.memory_space<vmem>> -> memref<1x256xi32, #tpu.memory_space<vmem>>
      %gather3A_344 = tpu.memref_squeeze %gather3A_343 : memref<1x256xi32, #tpu.memory_space<vmem>> -> memref<256xi32, #tpu.memory_space<vmem>>
      %gather3A_345 = tpu.vector_load_idx %gather3A_344[%add3A_340] : memref<256xi32, #tpu.memory_space<vmem>>[vector<16xi32>], vector<16xi32>,
      %add3A_346 = arith.constant 3 : i32
      %add3A_347 = vector.broadcast %add3A_346 : i32 to vector<16xi32>
      %add3A_348 = arith.addi %mul3A_324, %add3A_347 : vector<16xi32>
      %gather3A_349 = arith.constant 0 : i32
      %gather3A_350 = arith.constant 0 : i32
      %gather3A_351 = tpu.memref_slice %arg5[%gather3A_349, %gather3A_350] : memref<4x256xi32, #tpu.memory_space<vmem>> -> memref<1x256xi32, #tpu.memory_space<vmem>>
      %gather3A_352 = tpu.memref_squeeze %gather3A_351 : memref<1x256xi32, #tpu.memory_space<vmem>> -> memref<256xi32, #tpu.memory_space<vmem>>
      %gather3A_353 = tpu.vector_load_idx %gather3A_352[%add3A_348] : memref<256xi32, #tpu.memory_space<vmem>>[vector<16xi32>], vector<16xi32>,
      %mul3A_354 = arith.constant 5 : i32
      %mul3A_355 = vector.broadcast %mul3A_354 : i32 to vector<16xi32>
      %mul3A_356 = arith.muli %gather3A_329, %mul3A_355 : vector<16xi32>
      %add3A_357 = arith.addi %mul3A_356, %gather3A_337 : vector<16xi32>
      %mul3A_358 = arith.constant 5 : i32
      %mul3A_359 = vector.broadcast %mul3A_358 : i32 to vector<16xi32>
      %mul3A_360 = arith.muli %add3A_357, %mul3A_359 : vector<16xi32>
      %add3A_361 = arith.addi %mul3A_360, %gather3A_345 : vector<16xi32>
      %mul3A_362 = arith.constant 5 : i32
      %mul3A_363 = vector.broadcast %mul3A_362 : i32 to vector<16xi32>
      %mul3A_364 = arith.muli %add3A_361, %mul3A_363 : vector<16xi32>
      %add3A_365 = arith.addi %mul3A_364, %gather3A_353 : vector<16xi32>
      %swap3A_366 = arith.constant 0 : i32
      %swap3A_367 = arith.index_cast %swap3A_366 : i32 to index
      %swap3A_368 = arith.constant 48 : index
      %swap3A_369 = tpu.vector_load %arg6[%swap3A_367, %swap3A_368] {strides = array<i32>} : memref<4x64xi32, #tpu.memory_space<vmem>>, vector<16xi32>,
      tpu.vector_store %arg6[%swap3A_367, %swap3A_368], %add3A_365 {strides = array<i32>} : memref<4x64xi32, #tpu.memory_space<vmem>>, vector<16xi32>,
      %dma_start3A_370 = arith.constant 0 : i32
      %dma_start3A_371 = arith.constant 0 : i32
      %dma_start3A_372 = arith.constant 0 : i32
      %dma_start3A_373 = arith.constant 0 : i32
      %dma_start3A_374 = arith.constant 0 : i32
      %dma_start3A_375 = tpu.memref_slice %arg7[%dma_start3A_371, %dma_start3A_373, %dma_start3A_374] : memref<4x64x256xf32, #tpu.memory_space<vmem>> -> memref<1x64x256xf32, #tpu.memory_space<vmem>>
      %dma_start3A_376 = tpu.memref_squeeze %dma_start3A_375 : memref<1x64x256xf32, #tpu.memory_space<vmem>> -> memref<64x256xf32, #tpu.memory_space<vmem>>
      %dma_start3A_377 = arith.constant 0 : i32
      %dma_start3A_378 = tpu.memref_slice %arg6[%dma_start3A_370, %dma_start3A_377] : memref<4x64xi32, #tpu.memory_space<vmem>> -> memref<1x64xi32, #tpu.memory_space<vmem>>
      %dma_start3A_379 = tpu.memref_squeeze %dma_start3A_378 : memref<1x64xi32, #tpu.memory_space<vmem>> -> memref<64xi32, #tpu.memory_space<vmem>>
      %dma_start3A_380 = arith.constant 0 : i32
      %dma_start3A_381 = arith.constant 0 : i32
      %dma_start3A_382 = tpu.memref_slice %arg8[%dma_start3A_380, %dma_start3A_381] : memref<632x256xf32, #tpu.memory_space<vmem_shared>> -> memref<632x256xf32, #tpu.memory_space<vmem_shared>>
      %dma_start3A_383 = tpu.memref_slice %arg10[%dma_start3A_372] : memref<4x!tpu.dma_semaphore, #tpu.memory_space<semaphore_mem>> -> memref<1x!tpu.dma_semaphore, #tpu.memory_space<semaphore_mem>>
      %dma_start3A_384 = tpu.memref_squeeze %dma_start3A_383 : memref<1x!tpu.dma_semaphore, #tpu.memory_space<semaphore_mem>> -> memref<!tpu.dma_semaphore, #tpu.memory_space<semaphore_mem>>
      tpu.enqueue_indirect_dma source(%dma_start3A_382 : memref<632x256xf32, #tpu.memory_space<vmem_shared>>) target(%dma_start3A_376 : memref<64x256xf32, #tpu.memory_space<vmem>>) offsets(%dma_start3A_379 : memref<64xi32, #tpu.memory_space<vmem>>) semaphore(%dma_start3A_384 : memref<!tpu.dma_semaphore, #tpu.memory_space<semaphore_mem>>)
      %gt3A_385 = arith.constant 0 : i32
      %gt3A_386 = arith.cmpi sgt, %scan3A_140, %gt3A_385 : i32
      %convert_element_type3A_387 = arith.extui %gt3A_386 : i1 to i32
      %cond3A_388 = arith.constant 0 : i32
      %cond3A_389 = arith.cmpi ne, %convert_element_type3A_387, %cond3A_388 : i32
      scf.if %cond3A_389 {
        %sub3A = arith.constant 256 : i32
        %sub3A_1270 = arith.subi %add3A_143, %sub3A : i32
        %add3A_1271 = arith.constant 64 : i32
        %add3A_1272 = arith.addi %sub3A_1270, %add3A_1271 : i32
        %dma_wait3A_1273 = arith.constant 1 : i32
        %dma_wait3A_1274 = arith.constant 1 : i32
        %dma_wait3A_1275 = arith.constant 0 : i32
        %dma_wait3A_1276 = arith.constant 0 : i32
        %dma_wait3A_1277 = tpu.memref_slice %arg7[%dma_wait3A_1273, %dma_wait3A_1275, %dma_wait3A_1276] : memref<4x64x256xf32, #tpu.memory_space<vmem>> -> memref<1x64x256xf32, #tpu.memory_space<vmem>>
        %dma_wait3A_1278 = tpu.memref_squeeze %dma_wait3A_1277 : memref<1x64x256xf32, #tpu.memory_space<vmem>> -> memref<64x256xf32, #tpu.memory_space<vmem>>
        %dma_wait3A_1279 = arith.constant 0 : i32
        %dma_wait3A_1280 = tpu.memref_slice %arg4[%add3A_1272, %dma_wait3A_1279] : memref<262144x256xf32, #tpu.memory_space<hbm>> -> memref<64x256xf32, #tpu.memory_space<hbm>>
        %dma_wait3A_1281 = tpu.memref_slice %arg11[%dma_wait3A_1274] : memref<4x!tpu.dma_semaphore, #tpu.memory_space<semaphore_mem>> -> memref<1x!tpu.dma_semaphore, #tpu.memory_space<semaphore_mem>>
        %dma_wait3A_1282 = tpu.memref_squeeze %dma_wait3A_1281 : memref<1x!tpu.dma_semaphore, #tpu.memory_space<semaphore_mem>> -> memref<!tpu.dma_semaphore, #tpu.memory_space<semaphore_mem>>
        %dma_wait3A_1283 = arith.constant 0 : i32
        %dma_wait3A_1284 = tpu.memref_slice %arg4[%add3A_1272, %dma_wait3A_1283] : memref<262144x256xf32, #tpu.memory_space<hbm>> -> memref<64x256xf32, #tpu.memory_space<hbm>>
        %dma_wait3A_1285 = arith.constant 0 : i32
        %dma_wait3A_1286 = arith.constant 0 : i32
        %dma_wait3A_1287 = tpu.memref_slice %arg7[%dma_wait3A_1273, %dma_wait3A_1285, %dma_wait3A_1286] : memref<4x64x256xf32, #tpu.memory_space<vmem>> -> memref<1x64x256xf32, #tpu.memory_space<vmem>>
        %dma_wait3A_1288 = tpu.memref_squeeze %dma_wait3A_1287 : memref<1x64x256xf32, #tpu.memory_space<vmem>> -> memref<64x256xf32, #tpu.memory_space<vmem>>
        tpu.wait_dma2 semaphore(%dma_wait3A_1282 : memref<!tpu.dma_semaphore, #tpu.memory_space<semaphore_mem>>) src(%dma_wait3A_1288 : memref<64x256xf32, #tpu.memory_space<vmem>>) dst(%dma_wait3A_1284 : memref<64x256xf32, #tpu.memory_space<hbm>>)
      } else {
      }
      %add3A_390 = arith.constant 256 : i32
      %add3A_391 = arith.addi %add3A_146, %add3A_390 : i32
      %dma_wait3A_392 = arith.constant 1 : i32
      %dma_wait3A_393 = arith.constant 1 : i32
      %dma_wait3A_394 = arith.constant 0 : i32
      %dma_wait3A_395 = tpu.memref_slice %arg5[%dma_wait3A_392, %dma_wait3A_394] : memref<4x256xi32, #tpu.memory_space<vmem>> -> memref<1x256xi32, #tpu.memory_space<vmem>>
      %dma_wait3A_396 = tpu.memref_squeeze %dma_wait3A_395 : memref<1x256xi32, #tpu.memory_space<vmem>> -> memref<256xi32, #tpu.memory_space<vmem>>
      %dma_wait3A_397 = tpu.memref_slice %arg2[%add3A_391] : memref<1048576xi32, #tpu.memory_space<hbm>> -> memref<256xi32, #tpu.memory_space<hbm>>
      %dma_wait3A_398 = tpu.memref_slice %arg9[%dma_wait3A_393] : memref<4x!tpu.dma_semaphore, #tpu.memory_space<semaphore_mem>> -> memref<1x!tpu.dma_semaphore, #tpu.memory_space<semaphore_mem>>
      %dma_wait3A_399 = tpu.memref_squeeze %dma_wait3A_398 : memref<1x!tpu.dma_semaphore, #tpu.memory_space<semaphore_mem>> -> memref<!tpu.dma_semaphore, #tpu.memory_space<semaphore_mem>>
      %dma_wait3A_400 = arith.constant 0 : i32
      %dma_wait3A_401 = tpu.memref_slice %arg5[%dma_wait3A_392, %dma_wait3A_400] : memref<4x256xi32, #tpu.memory_space<vmem>> -> memref<1x256xi32, #tpu.memory_space<vmem>>
      %dma_wait3A_402 = tpu.memref_squeeze %dma_wait3A_401 : memref<1x256xi32, #tpu.memory_space<vmem>> -> memref<256xi32, #tpu.memory_space<vmem>>
      %dma_wait3A_403 = tpu.memref_slice %arg2[%add3A_391] : memref<1048576xi32, #tpu.memory_space<hbm>> -> memref<256xi32, #tpu.memory_space<hbm>>
      tpu.wait_dma2 semaphore(%dma_wait3A_399 : memref<!tpu.dma_semaphore, #tpu.memory_space<semaphore_mem>>) src(%dma_wait3A_403 : memref<256xi32, #tpu.memory_space<hbm>>) dst(%dma_wait3A_402 : memref<256xi32, #tpu.memory_space<vmem>>)
      %iota3A_404 = tpu.iota {dimensions = array<i32: 0>} : vector<16xi32>
      %add3A_405 = arith.constant 0 : i32
      %add3A_406 = vector.broadcast %add3A_405 : i32 to vector<16xi32>
      %add3A_407 = arith.addi %iota3A_404, %add3A_406 : vector<16xi32>
      %mul3A_408 = arith.constant 4 : i32
      %mul3A_409 = vector.broadcast %mul3A_408 : i32 to vector<16xi32>
      %mul3A_410 = arith.muli %add3A_407, %mul3A_409 : vector<16xi32>
      %gather3A_411 = arith.constant 1 : i32
      %gather3A_412 = arith.constant 0 : i32
      %gather3A_413 = tpu.memref_slice %arg5[%gather3A_411, %gather3A_412] : memref<4x256xi32, #tpu.memory_space<vmem>> -> memref<1x256xi32, #tpu.memory_space<vmem>>
      %gather3A_414 = tpu.memref_squeeze %gather3A_413 : memref<1x256xi32, #tpu.memory_space<vmem>> -> memref<256xi32, #tpu.memory_space<vmem>>
      %gather3A_415 = tpu.vector_load_idx %gather3A_414[%mul3A_410] : memref<256xi32, #tpu.memory_space<vmem>>[vector<16xi32>], vector<16xi32>,
      %add3A_416 = arith.constant 1 : i32
      %add3A_417 = vector.broadcast %add3A_416 : i32 to vector<16xi32>
      %add3A_418 = arith.addi %mul3A_410, %add3A_417 : vector<16xi32>
      %gather3A_419 = arith.constant 1 : i32
      %gather3A_420 = arith.constant 0 : i32
      %gather3A_421 = tpu.memref_slice %arg5[%gather3A_419, %gather3A_420] : memref<4x256xi32, #tpu.memory_space<vmem>> -> memref<1x256xi32, #tpu.memory_space<vmem>>
      %gather3A_422 = tpu.memref_squeeze %gather3A_421 : memref<1x256xi32, #tpu.memory_space<vmem>> -> memref<256xi32, #tpu.memory_space<vmem>>
      %gather3A_423 = tpu.vector_load_idx %gather3A_422[%add3A_418] : memref<256xi32, #tpu.memory_space<vmem>>[vector<16xi32>], vector<16xi32>,
      %add3A_424 = arith.constant 2 : i32
      %add3A_425 = vector.broadcast %add3A_424 : i32 to vector<16xi32>
      %add3A_426 = arith.addi %mul3A_410, %add3A_425 : vector<16xi32>
      %gather3A_427 = arith.constant 1 : i32
      %gather3A_428 = arith.constant 0 : i32
      %gather3A_429 = tpu.memref_slice %arg5[%gather3A_427, %gather3A_428] : memref<4x256xi32, #tpu.memory_space<vmem>> -> memref<1x256xi32, #tpu.memory_space<vmem>>
      %gather3A_430 = tpu.memref_squeeze %gather3A_429 : memref<1x256xi32, #tpu.memory_space<vmem>> -> memref<256xi32, #tpu.memory_space<vmem>>
      %gather3A_431 = tpu.vector_load_idx %gather3A_430[%add3A_426] : memref<256xi32, #tpu.memory_space<vmem>>[vector<16xi32>], vector<16xi32>,
      %add3A_432 = arith.constant 3 : i32
      %add3A_433 = vector.broadcast %add3A_432 : i32 to vector<16xi32>
      %add3A_434 = arith.addi %mul3A_410, %add3A_433 : vector<16xi32>
      %gather3A_435 = arith.constant 1 : i32
      %gather3A_436 = arith.constant 0 : i32
      %gather3A_437 = tpu.memref_slice %arg5[%gather3A_435, %gather3A_436] : memref<4x256xi32, #tpu.memory_space<vmem>> -> memref<1x256xi32, #tpu.memory_space<vmem>>
      %gather3A_438 = tpu.memref_squeeze %gather3A_437 : memref<1x256xi32, #tpu.memory_space<vmem>> -> memref<256xi32, #tpu.memory_space<vmem>>
      %gather3A_439 = tpu.vector_load_idx %gather3A_438[%add3A_434] : memref<256xi32, #tpu.memory_space<vmem>>[vector<16xi32>], vector<16xi32>,
      %mul3A_440 = arith.constant 5 : i32
      %mul3A_441 = vector.broadcast %mul3A_440 : i32 to vector<16xi32>
      %mul3A_442 = arith.muli %gather3A_415, %mul3A_441 : vector<16xi32>
      %add3A_443 = arith.addi %mul3A_442, %gather3A_423 : vector<16xi32>
      %mul3A_444 = arith.constant 5 : i32
      %mul3A_445 = vector.broadcast %mul3A_444 : i32 to vector<16xi32>
      %mul3A_446 = arith.muli %add3A_443, %mul3A_445 : vector<16xi32>
      %add3A_447 = arith.addi %mul3A_446, %gather3A_431 : vector<16xi32>
      %mul3A_448 = arith.constant 5 : i32
      %mul3A_449 = vector.broadcast %mul3A_448 : i32 to vector<16xi32>
      %mul3A_450 = arith.muli %add3A_447, %mul3A_449 : vector<16xi32>
      %add3A_451 = arith.addi %mul3A_450, %gather3A_439 : vector<16xi32>
      %swap3A_452 = arith.constant 1 : i32
      %swap3A_453 = arith.index_cast %swap3A_452 : i32 to index
      %swap3A_454 = arith.constant 0 : index
      %swap3A_455 = tpu.vector_load %arg6[%swap3A_453, %swap3A_454] {strides = array<i32>} : memref<4x64xi32, #tpu.memory_space<vmem>>, vector<16xi32>,
      tpu.vector_store %arg6[%swap3A_453, %swap3A_454], %add3A_451 {strides = array<i32>} : memref<4x64xi32, #tpu.memory_space<vmem>>, vector<16xi32>,
      %iota3A_456 = tpu.iota {dimensions = array<i32: 0>} : vector<16xi32>
      %add3A_457 = arith.constant 16 : i32
      %add3A_458 = vector.broadcast %add3A_457 : i32 to vector<16xi32>
      %add3A_459 = arith.addi %iota3A_456, %add3A_458 : vector<16xi32>
      %mul3A_460 = arith.constant 4 : i32
      %mul3A_461 = vector.broadcast %mul3A_460 : i32 to vector<16xi32>
      %mul3A_462 = arith.muli %add3A_459, %mul3A_461 : vector<16xi32>
      %gather3A_463 = arith.constant 1 : i32
      %gather3A_464 = arith.constant 0 : i32
      %gather3A_465 = tpu.memref_slice %arg5[%gather3A_463, %gather3A_464] : memref<4x256xi32, #tpu.memory_space<vmem>> -> memref<1x256xi32, #tpu.memory_space<vmem>>
      %gather3A_466 = tpu.memref_squeeze %gather3A_465 : memref<1x256xi32, #tpu.memory_space<vmem>> -> memref<256xi32, #tpu.memory_space<vmem>>
      %gather3A_467 = tpu.vector_load_idx %gather3A_466[%mul3A_462] : memref<256xi32, #tpu.memory_space<vmem>>[vector<16xi32>], vector<16xi32>,
      %add3A_468 = arith.constant 1 : i32
      %add3A_469 = vector.broadcast %add3A_468 : i32 to vector<16xi32>
      %add3A_470 = arith.addi %mul3A_462, %add3A_469 : vector<16xi32>
      %gather3A_471 = arith.constant 1 : i32
      %gather3A_472 = arith.constant 0 : i32
      %gather3A_473 = tpu.memref_slice %arg5[%gather3A_471, %gather3A_472] : memref<4x256xi32, #tpu.memory_space<vmem>> -> memref<1x256xi32, #tpu.memory_space<vmem>>
      %gather3A_474 = tpu.memref_squeeze %gather3A_473 : memref<1x256xi32, #tpu.memory_space<vmem>> -> memref<256xi32, #tpu.memory_space<vmem>>
      %gather3A_475 = tpu.vector_load_idx %gather3A_474[%add3A_470] : memref<256xi32, #tpu.memory_space<vmem>>[vector<16xi32>], vector<16xi32>,
      %add3A_476 = arith.constant 2 : i32
      %add3A_477 = vector.broadcast %add3A_476 : i32 to vector<16xi32>
      %add3A_478 = arith.addi %mul3A_462, %add3A_477 : vector<16xi32>
      %gather3A_479 = arith.constant 1 : i32
      %gather3A_480 = arith.constant 0 : i32
      %gather3A_481 = tpu.memref_slice %arg5[%gather3A_479, %gather3A_480] : memref<4x256xi32, #tpu.memory_space<vmem>> -> memref<1x256xi32, #tpu.memory_space<vmem>>
      %gather3A_482 = tpu.memref_squeeze %gather3A_481 : memref<1x256xi32, #tpu.memory_space<vmem>> -> memref<256xi32, #tpu.memory_space<vmem>>
      %gather3A_483 = tpu.vector_load_idx %gather3A_482[%add3A_478] : memref<256xi32, #tpu.memory_space<vmem>>[vector<16xi32>], vector<16xi32>,
      %add3A_484 = arith.constant 3 : i32
      %add3A_485 = vector.broadcast %add3A_484 : i32 to vector<16xi32>
      %add3A_486 = arith.addi %mul3A_462, %add3A_485 : vector<16xi32>
      %gather3A_487 = arith.constant 1 : i32
      %gather3A_488 = arith.constant 0 : i32
      %gather3A_489 = tpu.memref_slice %arg5[%gather3A_487, %gather3A_488] : memref<4x256xi32, #tpu.memory_space<vmem>> -> memref<1x256xi32, #tpu.memory_space<vmem>>
      %gather3A_490 = tpu.memref_squeeze %gather3A_489 : memref<1x256xi32, #tpu.memory_space<vmem>> -> memref<256xi32, #tpu.memory_space<vmem>>
      %gather3A_491 = tpu.vector_load_idx %gather3A_490[%add3A_486] : memref<256xi32, #tpu.memory_space<vmem>>[vector<16xi32>], vector<16xi32>,
      %mul3A_492 = arith.constant 5 : i32
      %mul3A_493 = vector.broadcast %mul3A_492 : i32 to vector<16xi32>
      %mul3A_494 = arith.muli %gather3A_467, %mul3A_493 : vector<16xi32>
      %add3A_495 = arith.addi %mul3A_494, %gather3A_475 : vector<16xi32>
      %mul3A_496 = arith.constant 5 : i32
      %mul3A_497 = vector.broadcast %mul3A_496 : i32 to vector<16xi32>
      %mul3A_498 = arith.muli %add3A_495, %mul3A_497 : vector<16xi32>
      %add3A_499 = arith.addi %mul3A_498, %gather3A_483 : vector<16xi32>
      %mul3A_500 = arith.constant 5 : i32
      %mul3A_501 = vector.broadcast %mul3A_500 : i32 to vector<16xi32>
      %mul3A_502 = arith.muli %add3A_499, %mul3A_501 : vector<16xi32>
      %add3A_503 = arith.addi %mul3A_502, %gather3A_491 : vector<16xi32>
      %swap3A_504 = arith.constant 1 : i32
      %swap3A_505 = arith.index_cast %swap3A_504 : i32 to index
      %swap3A_506 = arith.constant 16 : index
      %swap3A_507 = tpu.vector_load %arg6[%swap3A_505, %swap3A_506] {strides = array<i32>} : memref<4x64xi32, #tpu.memory_space<vmem>>, vector<16xi32>,
      tpu.vector_store %arg6[%swap3A_505, %swap3A_506], %add3A_503 {strides = array<i32>} : memref<4x64xi32, #tpu.memory_space<vmem>>, vector<16xi32>,
      %iota3A_508 = tpu.iota {dimensions = array<i32: 0>} : vector<16xi32>
      %add3A_509 = arith.constant 32 : i32
      %add3A_510 = vector.broadcast %add3A_509 : i32 to vector<16xi32>
      %add3A_511 = arith.addi %iota3A_508, %add3A_510 : vector<16xi32>
      %mul3A_512 = arith.constant 4 : i32
      %mul3A_513 = vector.broadcast %mul3A_512 : i32 to vector<16xi32>
      %mul3A_514 = arith.muli %add3A_511, %mul3A_513 : vector<16xi32>
      %gather3A_515 = arith.constant 1 : i32
      %gather3A_516 = arith.constant 0 : i32
      %gather3A_517 = tpu.memref_slice %arg5[%gather3A_515, %gather3A_516] : memref<4x256xi32, #tpu.memory_space<vmem>> -> memref<1x256xi32, #tpu.memory_space<vmem>>
      %gather3A_518 = tpu.memref_squeeze %gather3A_517 : memref<1x256xi32, #tpu.memory_space<vmem>> -> memref<256xi32, #tpu.memory_space<vmem>>
      %gather3A_519 = tpu.vector_load_idx %gather3A_518[%mul3A_514] : memref<256xi32, #tpu.memory_space<vmem>>[vector<16xi32>], vector<16xi32>,
      %add3A_520 = arith.constant 1 : i32
      %add3A_521 = vector.broadcast %add3A_520 : i32 to vector<16xi32>
      %add3A_522 = arith.addi %mul3A_514, %add3A_521 : vector<16xi32>
      %gather3A_523 = arith.constant 1 : i32
      %gather3A_524 = arith.constant 0 : i32
      %gather3A_525 = tpu.memref_slice %arg5[%gather3A_523, %gather3A_524] : memref<4x256xi32, #tpu.memory_space<vmem>> -> memref<1x256xi32, #tpu.memory_space<vmem>>
      %gather3A_526 = tpu.memref_squeeze %gather3A_525 : memref<1x256xi32, #tpu.memory_space<vmem>> -> memref<256xi32, #tpu.memory_space<vmem>>
      %gather3A_527 = tpu.vector_load_idx %gather3A_526[%add3A_522] : memref<256xi32, #tpu.memory_space<vmem>>[vector<16xi32>], vector<16xi32>,
      %add3A_528 = arith.constant 2 : i32
      %add3A_529 = vector.broadcast %add3A_528 : i32 to vector<16xi32>
      %add3A_530 = arith.addi %mul3A_514, %add3A_529 : vector<16xi32>
      %gather3A_531 = arith.constant 1 : i32
      %gather3A_532 = arith.constant 0 : i32
      %gather3A_533 = tpu.memref_slice %arg5[%gather3A_531, %gather3A_532] : memref<4x256xi32, #tpu.memory_space<vmem>> -> memref<1x256xi32, #tpu.memory_space<vmem>>
      %gather3A_534 = tpu.memref_squeeze %gather3A_533 : memref<1x256xi32, #tpu.memory_space<vmem>> -> memref<256xi32, #tpu.memory_space<vmem>>
      %gather3A_535 = tpu.vector_load_idx %gather3A_534[%add3A_530] : memref<256xi32, #tpu.memory_space<vmem>>[vector<16xi32>], vector<16xi32>,
      %add3A_536 = arith.constant 3 : i32
      %add3A_537 = vector.broadcast %add3A_536 : i32 to vector<16xi32>
      %add3A_538 = arith.addi %mul3A_514, %add3A_537 : vector<16xi32>
      %gather3A_539 = arith.constant 1 : i32
      %gather3A_540 = arith.constant 0 : i32
      %gather3A_541 = tpu.memref_slice %arg5[%gather3A_539, %gather3A_540] : memref<4x256xi32, #tpu.memory_space<vmem>> -> memref<1x256xi32, #tpu.memory_space<vmem>>
      %gather3A_542 = tpu.memref_squeeze %gather3A_541 : memref<1x256xi32, #tpu.memory_space<vmem>> -> memref<256xi32, #tpu.memory_space<vmem>>
      %gather3A_543 = tpu.vector_load_idx %gather3A_542[%add3A_538] : memref<256xi32, #tpu.memory_space<vmem>>[vector<16xi32>], vector<16xi32>,
      %mul3A_544 = arith.constant 5 : i32
      %mul3A_545 = vector.broadcast %mul3A_544 : i32 to vector<16xi32>
      %mul3A_546 = arith.muli %gather3A_519, %mul3A_545 : vector<16xi32>
      %add3A_547 = arith.addi %mul3A_546, %gather3A_527 : vector<16xi32>
      %mul3A_548 = arith.constant 5 : i32
      %mul3A_549 = vector.broadcast %mul3A_548 : i32 to vector<16xi32>
      %mul3A_550 = arith.muli %add3A_547, %mul3A_549 : vector<16xi32>
      %add3A_551 = arith.addi %mul3A_550, %gather3A_535 : vector<16xi32>
      %mul3A_552 = arith.constant 5 : i32
      %mul3A_553 = vector.broadcast %mul3A_552 : i32 to vector<16xi32>
      %mul3A_554 = arith.muli %add3A_551, %mul3A_553 : vector<16xi32>
      %add3A_555 = arith.addi %mul3A_554, %gather3A_543 : vector<16xi32>
      %swap3A_556 = arith.constant 1 : i32
      %swap3A_557 = arith.index_cast %swap3A_556 : i32 to index
      %swap3A_558 = arith.constant 32 : index
      %swap3A_559 = tpu.vector_load %arg6[%swap3A_557, %swap3A_558] {strides = array<i32>} : memref<4x64xi32, #tpu.memory_space<vmem>>, vector<16xi32>,
      tpu.vector_store %arg6[%swap3A_557, %swap3A_558], %add3A_555 {strides = array<i32>} : memref<4x64xi32, #tpu.memory_space<vmem>>, vector<16xi32>,
      %iota3A_560 = tpu.iota {dimensions = array<i32: 0>} : vector<16xi32>
      %add3A_561 = arith.constant 48 : i32
      %add3A_562 = vector.broadcast %add3A_561 : i32 to vector<16xi32>
      %add3A_563 = arith.addi %iota3A_560, %add3A_562 : vector<16xi32>
      %mul3A_564 = arith.constant 4 : i32
      %mul3A_565 = vector.broadcast %mul3A_564 : i32 to vector<16xi32>
      %mul3A_566 = arith.muli %add3A_563, %mul3A_565 : vector<16xi32>
      %gather3A_567 = arith.constant 1 : i32
      %gather3A_568 = arith.constant 0 : i32
      %gather3A_569 = tpu.memref_slice %arg5[%gather3A_567, %gather3A_568] : memref<4x256xi32, #tpu.memory_space<vmem>> -> memref<1x256xi32, #tpu.memory_space<vmem>>
      %gather3A_570 = tpu.memref_squeeze %gather3A_569 : memref<1x256xi32, #tpu.memory_space<vmem>> -> memref<256xi32, #tpu.memory_space<vmem>>
      %gather3A_571 = tpu.vector_load_idx %gather3A_570[%mul3A_566] : memref<256xi32, #tpu.memory_space<vmem>>[vector<16xi32>], vector<16xi32>,
      %add3A_572 = arith.constant 1 : i32
      %add3A_573 = vector.broadcast %add3A_572 : i32 to vector<16xi32>
      %add3A_574 = arith.addi %mul3A_566, %add3A_573 : vector<16xi32>
      %gather3A_575 = arith.constant 1 : i32
      %gather3A_576 = arith.constant 0 : i32
      %gather3A_577 = tpu.memref_slice %arg5[%gather3A_575, %gather3A_576] : memref<4x256xi32, #tpu.memory_space<vmem>> -> memref<1x256xi32, #tpu.memory_space<vmem>>
      %gather3A_578 = tpu.memref_squeeze %gather3A_577 : memref<1x256xi32, #tpu.memory_space<vmem>> -> memref<256xi32, #tpu.memory_space<vmem>>
      %gather3A_579 = tpu.vector_load_idx %gather3A_578[%add3A_574] : memref<256xi32, #tpu.memory_space<vmem>>[vector<16xi32>], vector<16xi32>,
      %add3A_580 = arith.constant 2 : i32
      %add3A_581 = vector.broadcast %add3A_580 : i32 to vector<16xi32>
      %add3A_582 = arith.addi %mul3A_566, %add3A_581 : vector<16xi32>
      %gather3A_583 = arith.constant 1 : i32
      %gather3A_584 = arith.constant 0 : i32
      %gather3A_585 = tpu.memref_slice %arg5[%gather3A_583, %gather3A_584] : memref<4x256xi32, #tpu.memory_space<vmem>> -> memref<1x256xi32, #tpu.memory_space<vmem>>
      %gather3A_586 = tpu.memref_squeeze %gather3A_585 : memref<1x256xi32, #tpu.memory_space<vmem>> -> memref<256xi32, #tpu.memory_space<vmem>>
      %gather3A_587 = tpu.vector_load_idx %gather3A_586[%add3A_582] : memref<256xi32, #tpu.memory_space<vmem>>[vector<16xi32>], vector<16xi32>,
      %add3A_588 = arith.constant 3 : i32
      %add3A_589 = vector.broadcast %add3A_588 : i32 to vector<16xi32>
      %add3A_590 = arith.addi %mul3A_566, %add3A_589 : vector<16xi32>
      %gather3A_591 = arith.constant 1 : i32
      %gather3A_592 = arith.constant 0 : i32
      %gather3A_593 = tpu.memref_slice %arg5[%gather3A_591, %gather3A_592] : memref<4x256xi32, #tpu.memory_space<vmem>> -> memref<1x256xi32, #tpu.memory_space<vmem>>
      %gather3A_594 = tpu.memref_squeeze %gather3A_593 : memref<1x256xi32, #tpu.memory_space<vmem>> -> memref<256xi32, #tpu.memory_space<vmem>>
      %gather3A_595 = tpu.vector_load_idx %gather3A_594[%add3A_590] : memref<256xi32, #tpu.memory_space<vmem>>[vector<16xi32>], vector<16xi32>,
      %mul3A_596 = arith.constant 5 : i32
      %mul3A_597 = vector.broadcast %mul3A_596 : i32 to vector<16xi32>
      %mul3A_598 = arith.muli %gather3A_571, %mul3A_597 : vector<16xi32>
      %add3A_599 = arith.addi %mul3A_598, %gather3A_579 : vector<16xi32>
      %mul3A_600 = arith.constant 5 : i32
      %mul3A_601 = vector.broadcast %mul3A_600 : i32 to vector<16xi32>
      %mul3A_602 = arith.muli %add3A_599, %mul3A_601 : vector<16xi32>
      %add3A_603 = arith.addi %mul3A_602, %gather3A_587 : vector<16xi32>
      %mul3A_604 = arith.constant 5 : i32
      %mul3A_605 = vector.broadcast %mul3A_604 : i32 to vector<16xi32>
      %mul3A_606 = arith.muli %add3A_603, %mul3A_605 : vector<16xi32>
      %add3A_607 = arith.addi %mul3A_606, %gather3A_595 : vector<16xi32>
      %swap3A_608 = arith.constant 1 : i32
      %swap3A_609 = arith.index_cast %swap3A_608 : i32 to index
      %swap3A_610 = arith.constant 48 : index
      %swap3A_611 = tpu.vector_load %arg6[%swap3A_609, %swap3A_610] {strides = array<i32>} : memref<4x64xi32, #tpu.memory_space<vmem>>, vector<16xi32>,
      tpu.vector_store %arg6[%swap3A_609, %swap3A_610], %add3A_607 {strides = array<i32>} : memref<4x64xi32, #tpu.memory_space<vmem>>, vector<16xi32>,
      %dma_start3A_612 = arith.constant 1 : i32
      %dma_start3A_613 = arith.constant 1 : i32
      %dma_start3A_614 = arith.constant 1 : i32
      %dma_start3A_615 = arith.constant 0 : i32
      %dma_start3A_616 = arith.constant 0 : i32
      %dma_start3A_617 = tpu.memref_slice %arg7[%dma_start3A_613, %dma_start3A_615, %dma_start3A_616] : memref<4x64x256xf32, #tpu.memory_space<vmem>> -> memref<1x64x256xf32, #tpu.memory_space<vmem>>
      %dma_start3A_618 = tpu.memref_squeeze %dma_start3A_617 : memref<1x64x256xf32, #tpu.memory_space<vmem>> -> memref<64x256xf32, #tpu.memory_space<vmem>>
      %dma_start3A_619 = arith.constant 0 : i32
      %dma_start3A_620 = tpu.memref_slice %arg6[%dma_start3A_612, %dma_start3A_619] : memref<4x64xi32, #tpu.memory_space<vmem>> -> memref<1x64xi32, #tpu.memory_space<vmem>>
      %dma_start3A_621 = tpu.memref_squeeze %dma_start3A_620 : memref<1x64xi32, #tpu.memory_space<vmem>> -> memref<64xi32, #tpu.memory_space<vmem>>
      %dma_start3A_622 = arith.constant 0 : i32
      %dma_start3A_623 = arith.constant 0 : i32
      %dma_start3A_624 = tpu.memref_slice %arg8[%dma_start3A_622, %dma_start3A_623] : memref<632x256xf32, #tpu.memory_space<vmem_shared>> -> memref<632x256xf32, #tpu.memory_space<vmem_shared>>
      %dma_start3A_625 = tpu.memref_slice %arg10[%dma_start3A_614] : memref<4x!tpu.dma_semaphore, #tpu.memory_space<semaphore_mem>> -> memref<1x!tpu.dma_semaphore, #tpu.memory_space<semaphore_mem>>
      %dma_start3A_626 = tpu.memref_squeeze %dma_start3A_625 : memref<1x!tpu.dma_semaphore, #tpu.memory_space<semaphore_mem>> -> memref<!tpu.dma_semaphore, #tpu.memory_space<semaphore_mem>>
      tpu.enqueue_indirect_dma source(%dma_start3A_624 : memref<632x256xf32, #tpu.memory_space<vmem_shared>>) target(%dma_start3A_618 : memref<64x256xf32, #tpu.memory_space<vmem>>) offsets(%dma_start3A_621 : memref<64xi32, #tpu.memory_space<vmem>>) semaphore(%dma_start3A_626 : memref<!tpu.dma_semaphore, #tpu.memory_space<semaphore_mem>>)
      %gt3A_627 = arith.constant 0 : i32
      %gt3A_628 = arith.cmpi sgt, %scan3A_140, %gt3A_627 : i32
      %convert_element_type3A_629 = arith.extui %gt3A_628 : i1 to i32
      %cond3A_630 = arith.constant 0 : i32
      %cond3A_631 = arith.cmpi ne, %convert_element_type3A_629, %cond3A_630 : i32
      scf.if %cond3A_631 {
        %sub3A = arith.constant 256 : i32
        %sub3A_1270 = arith.subi %add3A_143, %sub3A : i32
        %add3A_1271 = arith.constant 128 : i32
        %add3A_1272 = arith.addi %sub3A_1270, %add3A_1271 : i32
        %dma_wait3A_1273 = arith.constant 2 : i32
        %dma_wait3A_1274 = arith.constant 2 : i32
        %dma_wait3A_1275 = arith.constant 0 : i32
        %dma_wait3A_1276 = arith.constant 0 : i32
        %dma_wait3A_1277 = tpu.memref_slice %arg7[%dma_wait3A_1273, %dma_wait3A_1275, %dma_wait3A_1276] : memref<4x64x256xf32, #tpu.memory_space<vmem>> -> memref<1x64x256xf32, #tpu.memory_space<vmem>>
        %dma_wait3A_1278 = tpu.memref_squeeze %dma_wait3A_1277 : memref<1x64x256xf32, #tpu.memory_space<vmem>> -> memref<64x256xf32, #tpu.memory_space<vmem>>
        %dma_wait3A_1279 = arith.constant 0 : i32
        %dma_wait3A_1280 = tpu.memref_slice %arg4[%add3A_1272, %dma_wait3A_1279] : memref<262144x256xf32, #tpu.memory_space<hbm>> -> memref<64x256xf32, #tpu.memory_space<hbm>>
        %dma_wait3A_1281 = tpu.memref_slice %arg11[%dma_wait3A_1274] : memref<4x!tpu.dma_semaphore, #tpu.memory_space<semaphore_mem>> -> memref<1x!tpu.dma_semaphore, #tpu.memory_space<semaphore_mem>>
        %dma_wait3A_1282 = tpu.memref_squeeze %dma_wait3A_1281 : memref<1x!tpu.dma_semaphore, #tpu.memory_space<semaphore_mem>> -> memref<!tpu.dma_semaphore, #tpu.memory_space<semaphore_mem>>
        %dma_wait3A_1283 = arith.constant 0 : i32
        %dma_wait3A_1284 = tpu.memref_slice %arg4[%add3A_1272, %dma_wait3A_1283] : memref<262144x256xf32, #tpu.memory_space<hbm>> -> memref<64x256xf32, #tpu.memory_space<hbm>>
        %dma_wait3A_1285 = arith.constant 0 : i32
        %dma_wait3A_1286 = arith.constant 0 : i32
        %dma_wait3A_1287 = tpu.memref_slice %arg7[%dma_wait3A_1273, %dma_wait3A_1285, %dma_wait3A_1286] : memref<4x64x256xf32, #tpu.memory_space<vmem>> -> memref<1x64x256xf32, #tpu.memory_space<vmem>>
        %dma_wait3A_1288 = tpu.memref_squeeze %dma_wait3A_1287 : memref<1x64x256xf32, #tpu.memory_space<vmem>> -> memref<64x256xf32, #tpu.memory_space<vmem>>
        tpu.wait_dma2 semaphore(%dma_wait3A_1282 : memref<!tpu.dma_semaphore, #tpu.memory_space<semaphore_mem>>) src(%dma_wait3A_1288 : memref<64x256xf32, #tpu.memory_space<vmem>>) dst(%dma_wait3A_1284 : memref<64x256xf32, #tpu.memory_space<hbm>>)
      } else {
      }
      %add3A_632 = arith.constant 512 : i32
      %add3A_633 = arith.addi %add3A_146, %add3A_632 : i32
      %dma_wait3A_634 = arith.constant 2 : i32
      %dma_wait3A_635 = arith.constant 2 : i32
      %dma_wait3A_636 = arith.constant 0 : i32
      %dma_wait3A_637 = tpu.memref_slice %arg5[%dma_wait3A_634, %dma_wait3A_636] : memref<4x256xi32, #tpu.memory_space<vmem>> -> memref<1x256xi32, #tpu.memory_space<vmem>>
      %dma_wait3A_638 = tpu.memref_squeeze %dma_wait3A_637 : memref<1x256xi32, #tpu.memory_space<vmem>> -> memref<256xi32, #tpu.memory_space<vmem>>
      %dma_wait3A_639 = tpu.memref_slice %arg2[%add3A_633] : memref<1048576xi32, #tpu.memory_space<hbm>> -> memref<256xi32, #tpu.memory_space<hbm>>
      %dma_wait3A_640 = tpu.memref_slice %arg9[%dma_wait3A_635] : memref<4x!tpu.dma_semaphore, #tpu.memory_space<semaphore_mem>> -> memref<1x!tpu.dma_semaphore, #tpu.memory_space<semaphore_mem>>
      %dma_wait3A_641 = tpu.memref_squeeze %dma_wait3A_640 : memref<1x!tpu.dma_semaphore, #tpu.memory_space<semaphore_mem>> -> memref<!tpu.dma_semaphore, #tpu.memory_space<semaphore_mem>>
      %dma_wait3A_642 = arith.constant 0 : i32
      %dma_wait3A_643 = tpu.memref_slice %arg5[%dma_wait3A_634, %dma_wait3A_642] : memref<4x256xi32, #tpu.memory_space<vmem>> -> memref<1x256xi32, #tpu.memory_space<vmem>>
      %dma_wait3A_644 = tpu.memref_squeeze %dma_wait3A_643 : memref<1x256xi32, #tpu.memory_space<vmem>> -> memref<256xi32, #tpu.memory_space<vmem>>
      %dma_wait3A_645 = tpu.memref_slice %arg2[%add3A_633] : memref<1048576xi32, #tpu.memory_space<hbm>> -> memref<256xi32, #tpu.memory_space<hbm>>
      tpu.wait_dma2 semaphore(%dma_wait3A_641 : memref<!tpu.dma_semaphore, #tpu.memory_space<semaphore_mem>>) src(%dma_wait3A_645 : memref<256xi32, #tpu.memory_space<hbm>>) dst(%dma_wait3A_644 : memref<256xi32, #tpu.memory_space<vmem>>)
      %iota3A_646 = tpu.iota {dimensions = array<i32: 0>} : vector<16xi32>
      %add3A_647 = arith.constant 0 : i32
      %add3A_648 = vector.broadcast %add3A_647 : i32 to vector<16xi32>
      %add3A_649 = arith.addi %iota3A_646, %add3A_648 : vector<16xi32>
      %mul3A_650 = arith.constant 4 : i32
      %mul3A_651 = vector.broadcast %mul3A_650 : i32 to vector<16xi32>
      %mul3A_652 = arith.muli %add3A_649, %mul3A_651 : vector<16xi32>
      %gather3A_653 = arith.constant 2 : i32
      %gather3A_654 = arith.constant 0 : i32
      %gather3A_655 = tpu.memref_slice %arg5[%gather3A_653, %gather3A_654] : memref<4x256xi32, #tpu.memory_space<vmem>> -> memref<1x256xi32, #tpu.memory_space<vmem>>
      %gather3A_656 = tpu.memref_squeeze %gather3A_655 : memref<1x256xi32, #tpu.memory_space<vmem>> -> memref<256xi32, #tpu.memory_space<vmem>>
      %gather3A_657 = tpu.vector_load_idx %gather3A_656[%mul3A_652] : memref<256xi32, #tpu.memory_space<vmem>>[vector<16xi32>], vector<16xi32>,
      %add3A_658 = arith.constant 1 : i32
      %add3A_659 = vector.broadcast %add3A_658 : i32 to vector<16xi32>
      %add3A_660 = arith.addi %mul3A_652, %add3A_659 : vector<16xi32>
      %gather3A_661 = arith.constant 2 : i32
      %gather3A_662 = arith.constant 0 : i32
      %gather3A_663 = tpu.memref_slice %arg5[%gather3A_661, %gather3A_662] : memref<4x256xi32, #tpu.memory_space<vmem>> -> memref<1x256xi32, #tpu.memory_space<vmem>>
      %gather3A_664 = tpu.memref_squeeze %gather3A_663 : memref<1x256xi32, #tpu.memory_space<vmem>> -> memref<256xi32, #tpu.memory_space<vmem>>
      %gather3A_665 = tpu.vector_load_idx %gather3A_664[%add3A_660] : memref<256xi32, #tpu.memory_space<vmem>>[vector<16xi32>], vector<16xi32>,
      %add3A_666 = arith.constant 2 : i32
      %add3A_667 = vector.broadcast %add3A_666 : i32 to vector<16xi32>
      %add3A_668 = arith.addi %mul3A_652, %add3A_667 : vector<16xi32>
      %gather3A_669 = arith.constant 2 : i32
      %gather3A_670 = arith.constant 0 : i32
      %gather3A_671 = tpu.memref_slice %arg5[%gather3A_669, %gather3A_670] : memref<4x256xi32, #tpu.memory_space<vmem>> -> memref<1x256xi32, #tpu.memory_space<vmem>>
      %gather3A_672 = tpu.memref_squeeze %gather3A_671 : memref<1x256xi32, #tpu.memory_space<vmem>> -> memref<256xi32, #tpu.memory_space<vmem>>
      %gather3A_673 = tpu.vector_load_idx %gather3A_672[%add3A_668] : memref<256xi32, #tpu.memory_space<vmem>>[vector<16xi32>], vector<16xi32>,
      %add3A_674 = arith.constant 3 : i32
      %add3A_675 = vector.broadcast %add3A_674 : i32 to vector<16xi32>
      %add3A_676 = arith.addi %mul3A_652, %add3A_675 : vector<16xi32>
      %gather3A_677 = arith.constant 2 : i32
      %gather3A_678 = arith.constant 0 : i32
      %gather3A_679 = tpu.memref_slice %arg5[%gather3A_677, %gather3A_678] : memref<4x256xi32, #tpu.memory_space<vmem>> -> memref<1x256xi32, #tpu.memory_space<vmem>>
      %gather3A_680 = tpu.memref_squeeze %gather3A_679 : memref<1x256xi32, #tpu.memory_space<vmem>> -> memref<256xi32, #tpu.memory_space<vmem>>
      %gather3A_681 = tpu.vector_load_idx %gather3A_680[%add3A_676] : memref<256xi32, #tpu.memory_space<vmem>>[vector<16xi32>], vector<16xi32>,
      %mul3A_682 = arith.constant 5 : i32
      %mul3A_683 = vector.broadcast %mul3A_682 : i32 to vector<16xi32>
      %mul3A_684 = arith.muli %gather3A_657, %mul3A_683 : vector<16xi32>
      %add3A_685 = arith.addi %mul3A_684, %gather3A_665 : vector<16xi32>
      %mul3A_686 = arith.constant 5 : i32
      %mul3A_687 = vector.broadcast %mul3A_686 : i32 to vector<16xi32>
      %mul3A_688 = arith.muli %add3A_685, %mul3A_687 : vector<16xi32>
      %add3A_689 = arith.addi %mul3A_688, %gather3A_673 : vector<16xi32>
      %mul3A_690 = arith.constant 5 : i32
      %mul3A_691 = vector.broadcast %mul3A_690 : i32 to vector<16xi32>
      %mul3A_692 = arith.muli %add3A_689, %mul3A_691 : vector<16xi32>
      %add3A_693 = arith.addi %mul3A_692, %gather3A_681 : vector<16xi32>
      %swap3A_694 = arith.constant 2 : i32
      %swap3A_695 = arith.index_cast %swap3A_694 : i32 to index
      %swap3A_696 = arith.constant 0 : index
      %swap3A_697 = tpu.vector_load %arg6[%swap3A_695, %swap3A_696] {strides = array<i32>} : memref<4x64xi32, #tpu.memory_space<vmem>>, vector<16xi32>,
      tpu.vector_store %arg6[%swap3A_695, %swap3A_696], %add3A_693 {strides = array<i32>} : memref<4x64xi32, #tpu.memory_space<vmem>>, vector<16xi32>,
      %iota3A_698 = tpu.iota {dimensions = array<i32: 0>} : vector<16xi32>
      %add3A_699 = arith.constant 16 : i32
      %add3A_700 = vector.broadcast %add3A_699 : i32 to vector<16xi32>
      %add3A_701 = arith.addi %iota3A_698, %add3A_700 : vector<16xi32>
      %mul3A_702 = arith.constant 4 : i32
      %mul3A_703 = vector.broadcast %mul3A_702 : i32 to vector<16xi32>
      %mul3A_704 = arith.muli %add3A_701, %mul3A_703 : vector<16xi32>
      %gather3A_705 = arith.constant 2 : i32
      %gather3A_706 = arith.constant 0 : i32
      %gather3A_707 = tpu.memref_slice %arg5[%gather3A_705, %gather3A_706] : memref<4x256xi32, #tpu.memory_space<vmem>> -> memref<1x256xi32, #tpu.memory_space<vmem>>
      %gather3A_708 = tpu.memref_squeeze %gather3A_707 : memref<1x256xi32, #tpu.memory_space<vmem>> -> memref<256xi32, #tpu.memory_space<vmem>>
      %gather3A_709 = tpu.vector_load_idx %gather3A_708[%mul3A_704] : memref<256xi32, #tpu.memory_space<vmem>>[vector<16xi32>], vector<16xi32>,
      %add3A_710 = arith.constant 1 : i32
      %add3A_711 = vector.broadcast %add3A_710 : i32 to vector<16xi32>
      %add3A_712 = arith.addi %mul3A_704, %add3A_711 : vector<16xi32>
      %gather3A_713 = arith.constant 2 : i32
      %gather3A_714 = arith.constant 0 : i32
      %gather3A_715 = tpu.memref_slice %arg5[%gather3A_713, %gather3A_714] : memref<4x256xi32, #tpu.memory_space<vmem>> -> memref<1x256xi32, #tpu.memory_space<vmem>>
      %gather3A_716 = tpu.memref_squeeze %gather3A_715 : memref<1x256xi32, #tpu.memory_space<vmem>> -> memref<256xi32, #tpu.memory_space<vmem>>
      %gather3A_717 = tpu.vector_load_idx %gather3A_716[%add3A_712] : memref<256xi32, #tpu.memory_space<vmem>>[vector<16xi32>], vector<16xi32>,
      %add3A_718 = arith.constant 2 : i32
      %add3A_719 = vector.broadcast %add3A_718 : i32 to vector<16xi32>
      %add3A_720 = arith.addi %mul3A_704, %add3A_719 : vector<16xi32>
      %gather3A_721 = arith.constant 2 : i32
      %gather3A_722 = arith.constant 0 : i32
      %gather3A_723 = tpu.memref_slice %arg5[%gather3A_721, %gather3A_722] : memref<4x256xi32, #tpu.memory_space<vmem>> -> memref<1x256xi32, #tpu.memory_space<vmem>>
      %gather3A_724 = tpu.memref_squeeze %gather3A_723 : memref<1x256xi32, #tpu.memory_space<vmem>> -> memref<256xi32, #tpu.memory_space<vmem>>
      %gather3A_725 = tpu.vector_load_idx %gather3A_724[%add3A_720] : memref<256xi32, #tpu.memory_space<vmem>>[vector<16xi32>], vector<16xi32>,
      %add3A_726 = arith.constant 3 : i32
      %add3A_727 = vector.broadcast %add3A_726 : i32 to vector<16xi32>
      %add3A_728 = arith.addi %mul3A_704, %add3A_727 : vector<16xi32>
      %gather3A_729 = arith.constant 2 : i32
      %gather3A_730 = arith.constant 0 : i32
      %gather3A_731 = tpu.memref_slice %arg5[%gather3A_729, %gather3A_730] : memref<4x256xi32, #tpu.memory_space<vmem>> -> memref<1x256xi32, #tpu.memory_space<vmem>>
      %gather3A_732 = tpu.memref_squeeze %gather3A_731 : memref<1x256xi32, #tpu.memory_space<vmem>> -> memref<256xi32, #tpu.memory_space<vmem>>
      %gather3A_733 = tpu.vector_load_idx %gather3A_732[%add3A_728] : memref<256xi32, #tpu.memory_space<vmem>>[vector<16xi32>], vector<16xi32>,
      %mul3A_734 = arith.constant 5 : i32
      %mul3A_735 = vector.broadcast %mul3A_734 : i32 to vector<16xi32>
      %mul3A_736 = arith.muli %gather3A_709, %mul3A_735 : vector<16xi32>
      %add3A_737 = arith.addi %mul3A_736, %gather3A_717 : vector<16xi32>
      %mul3A_738 = arith.constant 5 : i32
      %mul3A_739 = vector.broadcast %mul3A_738 : i32 to vector<16xi32>
      %mul3A_740 = arith.muli %add3A_737, %mul3A_739 : vector<16xi32>
      %add3A_741 = arith.addi %mul3A_740, %gather3A_725 : vector<16xi32>
      %mul3A_742 = arith.constant 5 : i32
      %mul3A_743 = vector.broadcast %mul3A_742 : i32 to vector<16xi32>
      %mul3A_744 = arith.muli %add3A_741, %mul3A_743 : vector<16xi32>
      %add3A_745 = arith.addi %mul3A_744, %gather3A_733 : vector<16xi32>
      %swap3A_746 = arith.constant 2 : i32
      %swap3A_747 = arith.index_cast %swap3A_746 : i32 to index
      %swap3A_748 = arith.constant 16 : index
      %swap3A_749 = tpu.vector_load %arg6[%swap3A_747, %swap3A_748] {strides = array<i32>} : memref<4x64xi32, #tpu.memory_space<vmem>>, vector<16xi32>,
      tpu.vector_store %arg6[%swap3A_747, %swap3A_748], %add3A_745 {strides = array<i32>} : memref<4x64xi32, #tpu.memory_space<vmem>>, vector<16xi32>,
      %iota3A_750 = tpu.iota {dimensions = array<i32: 0>} : vector<16xi32>
      %add3A_751 = arith.constant 32 : i32
      %add3A_752 = vector.broadcast %add3A_751 : i32 to vector<16xi32>
      %add3A_753 = arith.addi %iota3A_750, %add3A_752 : vector<16xi32>
      %mul3A_754 = arith.constant 4 : i32
      %mul3A_755 = vector.broadcast %mul3A_754 : i32 to vector<16xi32>
      %mul3A_756 = arith.muli %add3A_753, %mul3A_755 : vector<16xi32>
      %gather3A_757 = arith.constant 2 : i32
      %gather3A_758 = arith.constant 0 : i32
      %gather3A_759 = tpu.memref_slice %arg5[%gather3A_757, %gather3A_758] : memref<4x256xi32, #tpu.memory_space<vmem>> -> memref<1x256xi32, #tpu.memory_space<vmem>>
      %gather3A_760 = tpu.memref_squeeze %gather3A_759 : memref<1x256xi32, #tpu.memory_space<vmem>> -> memref<256xi32, #tpu.memory_space<vmem>>
      %gather3A_761 = tpu.vector_load_idx %gather3A_760[%mul3A_756] : memref<256xi32, #tpu.memory_space<vmem>>[vector<16xi32>], vector<16xi32>,
      %add3A_762 = arith.constant 1 : i32
      %add3A_763 = vector.broadcast %add3A_762 : i32 to vector<16xi32>
      %add3A_764 = arith.addi %mul3A_756, %add3A_763 : vector<16xi32>
      %gather3A_765 = arith.constant 2 : i32
      %gather3A_766 = arith.constant 0 : i32
      %gather3A_767 = tpu.memref_slice %arg5[%gather3A_765, %gather3A_766] : memref<4x256xi32, #tpu.memory_space<vmem>> -> memref<1x256xi32, #tpu.memory_space<vmem>>
      %gather3A_768 = tpu.memref_squeeze %gather3A_767 : memref<1x256xi32, #tpu.memory_space<vmem>> -> memref<256xi32, #tpu.memory_space<vmem>>
      %gather3A_769 = tpu.vector_load_idx %gather3A_768[%add3A_764] : memref<256xi32, #tpu.memory_space<vmem>>[vector<16xi32>], vector<16xi32>,
      %add3A_770 = arith.constant 2 : i32
      %add3A_771 = vector.broadcast %add3A_770 : i32 to vector<16xi32>
      %add3A_772 = arith.addi %mul3A_756, %add3A_771 : vector<16xi32>
      %gather3A_773 = arith.constant 2 : i32
      %gather3A_774 = arith.constant 0 : i32
      %gather3A_775 = tpu.memref_slice %arg5[%gather3A_773, %gather3A_774] : memref<4x256xi32, #tpu.memory_space<vmem>> -> memref<1x256xi32, #tpu.memory_space<vmem>>
      %gather3A_776 = tpu.memref_squeeze %gather3A_775 : memref<1x256xi32, #tpu.memory_space<vmem>> -> memref<256xi32, #tpu.memory_space<vmem>>
      %gather3A_777 = tpu.vector_load_idx %gather3A_776[%add3A_772] : memref<256xi32, #tpu.memory_space<vmem>>[vector<16xi32>], vector<16xi32>,
      %add3A_778 = arith.constant 3 : i32
      %add3A_779 = vector.broadcast %add3A_778 : i32 to vector<16xi32>
      %add3A_780 = arith.addi %mul3A_756, %add3A_779 : vector<16xi32>
      %gather3A_781 = arith.constant 2 : i32
      %gather3A_782 = arith.constant 0 : i32
      %gather3A_783 = tpu.memref_slice %arg5[%gather3A_781, %gather3A_782] : memref<4x256xi32, #tpu.memory_space<vmem>> -> memref<1x256xi32, #tpu.memory_space<vmem>>
      %gather3A_784 = tpu.memref_squeeze %gather3A_783 : memref<1x256xi32, #tpu.memory_space<vmem>> -> memref<256xi32, #tpu.memory_space<vmem>>
      %gather3A_785 = tpu.vector_load_idx %gather3A_784[%add3A_780] : memref<256xi32, #tpu.memory_space<vmem>>[vector<16xi32>], vector<16xi32>,
      %mul3A_786 = arith.constant 5 : i32
      %mul3A_787 = vector.broadcast %mul3A_786 : i32 to vector<16xi32>
      %mul3A_788 = arith.muli %gather3A_761, %mul3A_787 : vector<16xi32>
      %add3A_789 = arith.addi %mul3A_788, %gather3A_769 : vector<16xi32>
      %mul3A_790 = arith.constant 5 : i32
      %mul3A_791 = vector.broadcast %mul3A_790 : i32 to vector<16xi32>
      %mul3A_792 = arith.muli %add3A_789, %mul3A_791 : vector<16xi32>
      %add3A_793 = arith.addi %mul3A_792, %gather3A_777 : vector<16xi32>
      %mul3A_794 = arith.constant 5 : i32
      %mul3A_795 = vector.broadcast %mul3A_794 : i32 to vector<16xi32>
      %mul3A_796 = arith.muli %add3A_793, %mul3A_795 : vector<16xi32>
      %add3A_797 = arith.addi %mul3A_796, %gather3A_785 : vector<16xi32>
      %swap3A_798 = arith.constant 2 : i32
      %swap3A_799 = arith.index_cast %swap3A_798 : i32 to index
      %swap3A_800 = arith.constant 32 : index
      %swap3A_801 = tpu.vector_load %arg6[%swap3A_799, %swap3A_800] {strides = array<i32>} : memref<4x64xi32, #tpu.memory_space<vmem>>, vector<16xi32>,
      tpu.vector_store %arg6[%swap3A_799, %swap3A_800], %add3A_797 {strides = array<i32>} : memref<4x64xi32, #tpu.memory_space<vmem>>, vector<16xi32>,
      %iota3A_802 = tpu.iota {dimensions = array<i32: 0>} : vector<16xi32>
      %add3A_803 = arith.constant 48 : i32
      %add3A_804 = vector.broadcast %add3A_803 : i32 to vector<16xi32>
      %add3A_805 = arith.addi %iota3A_802, %add3A_804 : vector<16xi32>
      %mul3A_806 = arith.constant 4 : i32
      %mul3A_807 = vector.broadcast %mul3A_806 : i32 to vector<16xi32>
      %mul3A_808 = arith.muli %add3A_805, %mul3A_807 : vector<16xi32>
      %gather3A_809 = arith.constant 2 : i32
      %gather3A_810 = arith.constant 0 : i32
      %gather3A_811 = tpu.memref_slice %arg5[%gather3A_809, %gather3A_810] : memref<4x256xi32, #tpu.memory_space<vmem>> -> memref<1x256xi32, #tpu.memory_space<vmem>>
      %gather3A_812 = tpu.memref_squeeze %gather3A_811 : memref<1x256xi32, #tpu.memory_space<vmem>> -> memref<256xi32, #tpu.memory_space<vmem>>
      %gather3A_813 = tpu.vector_load_idx %gather3A_812[%mul3A_808] : memref<256xi32, #tpu.memory_space<vmem>>[vector<16xi32>], vector<16xi32>,
      %add3A_814 = arith.constant 1 : i32
      %add3A_815 = vector.broadcast %add3A_814 : i32 to vector<16xi32>
      %add3A_816 = arith.addi %mul3A_808, %add3A_815 : vector<16xi32>
      %gather3A_817 = arith.constant 2 : i32
      %gather3A_818 = arith.constant 0 : i32
      %gather3A_819 = tpu.memref_slice %arg5[%gather3A_817, %gather3A_818] : memref<4x256xi32, #tpu.memory_space<vmem>> -> memref<1x256xi32, #tpu.memory_space<vmem>>
      %gather3A_820 = tpu.memref_squeeze %gather3A_819 : memref<1x256xi32, #tpu.memory_space<vmem>> -> memref<256xi32, #tpu.memory_space<vmem>>
      %gather3A_821 = tpu.vector_load_idx %gather3A_820[%add3A_816] : memref<256xi32, #tpu.memory_space<vmem>>[vector<16xi32>], vector<16xi32>,
      %add3A_822 = arith.constant 2 : i32
      %add3A_823 = vector.broadcast %add3A_822 : i32 to vector<16xi32>
      %add3A_824 = arith.addi %mul3A_808, %add3A_823 : vector<16xi32>
      %gather3A_825 = arith.constant 2 : i32
      %gather3A_826 = arith.constant 0 : i32
      %gather3A_827 = tpu.memref_slice %arg5[%gather3A_825, %gather3A_826] : memref<4x256xi32, #tpu.memory_space<vmem>> -> memref<1x256xi32, #tpu.memory_space<vmem>>
      %gather3A_828 = tpu.memref_squeeze %gather3A_827 : memref<1x256xi32, #tpu.memory_space<vmem>> -> memref<256xi32, #tpu.memory_space<vmem>>
      %gather3A_829 = tpu.vector_load_idx %gather3A_828[%add3A_824] : memref<256xi32, #tpu.memory_space<vmem>>[vector<16xi32>], vector<16xi32>,
      %add3A_830 = arith.constant 3 : i32
      %add3A_831 = vector.broadcast %add3A_830 : i32 to vector<16xi32>
      %add3A_832 = arith.addi %mul3A_808, %add3A_831 : vector<16xi32>
      %gather3A_833 = arith.constant 2 : i32
      %gather3A_834 = arith.constant 0 : i32
      %gather3A_835 = tpu.memref_slice %arg5[%gather3A_833, %gather3A_834] : memref<4x256xi32, #tpu.memory_space<vmem>> -> memref<1x256xi32, #tpu.memory_space<vmem>>
      %gather3A_836 = tpu.memref_squeeze %gather3A_835 : memref<1x256xi32, #tpu.memory_space<vmem>> -> memref<256xi32, #tpu.memory_space<vmem>>
      %gather3A_837 = tpu.vector_load_idx %gather3A_836[%add3A_832] : memref<256xi32, #tpu.memory_space<vmem>>[vector<16xi32>], vector<16xi32>,
      %mul3A_838 = arith.constant 5 : i32
      %mul3A_839 = vector.broadcast %mul3A_838 : i32 to vector<16xi32>
      %mul3A_840 = arith.muli %gather3A_813, %mul3A_839 : vector<16xi32>
      %add3A_841 = arith.addi %mul3A_840, %gather3A_821 : vector<16xi32>
      %mul3A_842 = arith.constant 5 : i32
      %mul3A_843 = vector.broadcast %mul3A_842 : i32 to vector<16xi32>
      %mul3A_844 = arith.muli %add3A_841, %mul3A_843 : vector<16xi32>
      %add3A_845 = arith.addi %mul3A_844, %gather3A_829 : vector<16xi32>
      %mul3A_846 = arith.constant 5 : i32
      %mul3A_847 = vector.broadcast %mul3A_846 : i32 to vector<16xi32>
      %mul3A_848 = arith.muli %add3A_845, %mul3A_847 : vector<16xi32>
      %add3A_849 = arith.addi %mul3A_848, %gather3A_837 : vector<16xi32>
      %swap3A_850 = arith.constant 2 : i32
      %swap3A_851 = arith.index_cast %swap3A_850 : i32 to index
      %swap3A_852 = arith.constant 48 : index
      %swap3A_853 = tpu.vector_load %arg6[%swap3A_851, %swap3A_852] {strides = array<i32>} : memref<4x64xi32, #tpu.memory_space<vmem>>, vector<16xi32>,
      tpu.vector_store %arg6[%swap3A_851, %swap3A_852], %add3A_849 {strides = array<i32>} : memref<4x64xi32, #tpu.memory_space<vmem>>, vector<16xi32>,
      %dma_start3A_854 = arith.constant 2 : i32
      %dma_start3A_855 = arith.constant 2 : i32
      %dma_start3A_856 = arith.constant 2 : i32
      %dma_start3A_857 = arith.constant 0 : i32
      %dma_start3A_858 = arith.constant 0 : i32
      %dma_start3A_859 = tpu.memref_slice %arg7[%dma_start3A_855, %dma_start3A_857, %dma_start3A_858] : memref<4x64x256xf32, #tpu.memory_space<vmem>> -> memref<1x64x256xf32, #tpu.memory_space<vmem>>
      %dma_start3A_860 = tpu.memref_squeeze %dma_start3A_859 : memref<1x64x256xf32, #tpu.memory_space<vmem>> -> memref<64x256xf32, #tpu.memory_space<vmem>>
      %dma_start3A_861 = arith.constant 0 : i32
      %dma_start3A_862 = tpu.memref_slice %arg6[%dma_start3A_854, %dma_start3A_861] : memref<4x64xi32, #tpu.memory_space<vmem>> -> memref<1x64xi32, #tpu.memory_space<vmem>>
      %dma_start3A_863 = tpu.memref_squeeze %dma_start3A_862 : memref<1x64xi32, #tpu.memory_space<vmem>> -> memref<64xi32, #tpu.memory_space<vmem>>
      %dma_start3A_864 = arith.constant 0 : i32
      %dma_start3A_865 = arith.constant 0 : i32
      %dma_start3A_866 = tpu.memref_slice %arg8[%dma_start3A_864, %dma_start3A_865] : memref<632x256xf32, #tpu.memory_space<vmem_shared>> -> memref<632x256xf32, #tpu.memory_space<vmem_shared>>
      %dma_start3A_867 = tpu.memref_slice %arg10[%dma_start3A_856] : memref<4x!tpu.dma_semaphore, #tpu.memory_space<semaphore_mem>> -> memref<1x!tpu.dma_semaphore, #tpu.memory_space<semaphore_mem>>
      %dma_start3A_868 = tpu.memref_squeeze %dma_start3A_867 : memref<1x!tpu.dma_semaphore, #tpu.memory_space<semaphore_mem>> -> memref<!tpu.dma_semaphore, #tpu.memory_space<semaphore_mem>>
      tpu.enqueue_indirect_dma source(%dma_start3A_866 : memref<632x256xf32, #tpu.memory_space<vmem_shared>>) target(%dma_start3A_860 : memref<64x256xf32, #tpu.memory_space<vmem>>) offsets(%dma_start3A_863 : memref<64xi32, #tpu.memory_space<vmem>>) semaphore(%dma_start3A_868 : memref<!tpu.dma_semaphore, #tpu.memory_space<semaphore_mem>>)
      %gt3A_869 = arith.constant 0 : i32
      %gt3A_870 = arith.cmpi sgt, %scan3A_140, %gt3A_869 : i32
      %convert_element_type3A_871 = arith.extui %gt3A_870 : i1 to i32
      %cond3A_872 = arith.constant 0 : i32
      %cond3A_873 = arith.cmpi ne, %convert_element_type3A_871, %cond3A_872 : i32
      scf.if %cond3A_873 {
        %sub3A = arith.constant 256 : i32
        %sub3A_1270 = arith.subi %add3A_143, %sub3A : i32
        %add3A_1271 = arith.constant 192 : i32
        %add3A_1272 = arith.addi %sub3A_1270, %add3A_1271 : i32
        %dma_wait3A_1273 = arith.constant 3 : i32
        %dma_wait3A_1274 = arith.constant 3 : i32
        %dma_wait3A_1275 = arith.constant 0 : i32
        %dma_wait3A_1276 = arith.constant 0 : i32
        %dma_wait3A_1277 = tpu.memref_slice %arg7[%dma_wait3A_1273, %dma_wait3A_1275, %dma_wait3A_1276] : memref<4x64x256xf32, #tpu.memory_space<vmem>> -> memref<1x64x256xf32, #tpu.memory_space<vmem>>
        %dma_wait3A_1278 = tpu.memref_squeeze %dma_wait3A_1277 : memref<1x64x256xf32, #tpu.memory_space<vmem>> -> memref<64x256xf32, #tpu.memory_space<vmem>>
        %dma_wait3A_1279 = arith.constant 0 : i32
        %dma_wait3A_1280 = tpu.memref_slice %arg4[%add3A_1272, %dma_wait3A_1279] : memref<262144x256xf32, #tpu.memory_space<hbm>> -> memref<64x256xf32, #tpu.memory_space<hbm>>
        %dma_wait3A_1281 = tpu.memref_slice %arg11[%dma_wait3A_1274] : memref<4x!tpu.dma_semaphore, #tpu.memory_space<semaphore_mem>> -> memref<1x!tpu.dma_semaphore, #tpu.memory_space<semaphore_mem>>
        %dma_wait3A_1282 = tpu.memref_squeeze %dma_wait3A_1281 : memref<1x!tpu.dma_semaphore, #tpu.memory_space<semaphore_mem>> -> memref<!tpu.dma_semaphore, #tpu.memory_space<semaphore_mem>>
        %dma_wait3A_1283 = arith.constant 0 : i32
        %dma_wait3A_1284 = tpu.memref_slice %arg4[%add3A_1272, %dma_wait3A_1283] : memref<262144x256xf32, #tpu.memory_space<hbm>> -> memref<64x256xf32, #tpu.memory_space<hbm>>
        %dma_wait3A_1285 = arith.constant 0 : i32
        %dma_wait3A_1286 = arith.constant 0 : i32
        %dma_wait3A_1287 = tpu.memref_slice %arg7[%dma_wait3A_1273, %dma_wait3A_1285, %dma_wait3A_1286] : memref<4x64x256xf32, #tpu.memory_space<vmem>> -> memref<1x64x256xf32, #tpu.memory_space<vmem>>
        %dma_wait3A_1288 = tpu.memref_squeeze %dma_wait3A_1287 : memref<1x64x256xf32, #tpu.memory_space<vmem>> -> memref<64x256xf32, #tpu.memory_space<vmem>>
        tpu.wait_dma2 semaphore(%dma_wait3A_1282 : memref<!tpu.dma_semaphore, #tpu.memory_space<semaphore_mem>>) src(%dma_wait3A_1288 : memref<64x256xf32, #tpu.memory_space<vmem>>) dst(%dma_wait3A_1284 : memref<64x256xf32, #tpu.memory_space<hbm>>)
      } else {
      }
      %add3A_874 = arith.constant 768 : i32
      %add3A_875 = arith.addi %add3A_146, %add3A_874 : i32
      %dma_wait3A_876 = arith.constant 3 : i32
      %dma_wait3A_877 = arith.constant 3 : i32
      %dma_wait3A_878 = arith.constant 0 : i32
      %dma_wait3A_879 = tpu.memref_slice %arg5[%dma_wait3A_876, %dma_wait3A_878] : memref<4x256xi32, #tpu.memory_space<vmem>> -> memref<1x256xi32, #tpu.memory_space<vmem>>
      %dma_wait3A_880 = tpu.memref_squeeze %dma_wait3A_879 : memref<1x256xi32, #tpu.memory_space<vmem>> -> memref<256xi32, #tpu.memory_space<vmem>>
      %dma_wait3A_881 = tpu.memref_slice %arg2[%add3A_875] : memref<1048576xi32, #tpu.memory_space<hbm>> -> memref<256xi32, #tpu.memory_space<hbm>>
      %dma_wait3A_882 = tpu.memref_slice %arg9[%dma_wait3A_877] : memref<4x!tpu.dma_semaphore, #tpu.memory_space<semaphore_mem>> -> memref<1x!tpu.dma_semaphore, #tpu.memory_space<semaphore_mem>>
      %dma_wait3A_883 = tpu.memref_squeeze %dma_wait3A_882 : memref<1x!tpu.dma_semaphore, #tpu.memory_space<semaphore_mem>> -> memref<!tpu.dma_semaphore, #tpu.memory_space<semaphore_mem>>
      %dma_wait3A_884 = arith.constant 0 : i32
      %dma_wait3A_885 = tpu.memref_slice %arg5[%dma_wait3A_876, %dma_wait3A_884] : memref<4x256xi32, #tpu.memory_space<vmem>> -> memref<1x256xi32, #tpu.memory_space<vmem>>
      %dma_wait3A_886 = tpu.memref_squeeze %dma_wait3A_885 : memref<1x256xi32, #tpu.memory_space<vmem>> -> memref<256xi32, #tpu.memory_space<vmem>>
      %dma_wait3A_887 = tpu.memref_slice %arg2[%add3A_875] : memref<1048576xi32, #tpu.memory_space<hbm>> -> memref<256xi32, #tpu.memory_space<hbm>>
      tpu.wait_dma2 semaphore(%dma_wait3A_883 : memref<!tpu.dma_semaphore, #tpu.memory_space<semaphore_mem>>) src(%dma_wait3A_887 : memref<256xi32, #tpu.memory_space<hbm>>) dst(%dma_wait3A_886 : memref<256xi32, #tpu.memory_space<vmem>>)
      %iota3A_888 = tpu.iota {dimensions = array<i32: 0>} : vector<16xi32>
      %add3A_889 = arith.constant 0 : i32
      %add3A_890 = vector.broadcast %add3A_889 : i32 to vector<16xi32>
      %add3A_891 = arith.addi %iota3A_888, %add3A_890 : vector<16xi32>
      %mul3A_892 = arith.constant 4 : i32
      %mul3A_893 = vector.broadcast %mul3A_892 : i32 to vector<16xi32>
      %mul3A_894 = arith.muli %add3A_891, %mul3A_893 : vector<16xi32>
      %gather3A_895 = arith.constant 3 : i32
      %gather3A_896 = arith.constant 0 : i32
      %gather3A_897 = tpu.memref_slice %arg5[%gather3A_895, %gather3A_896] : memref<4x256xi32, #tpu.memory_space<vmem>> -> memref<1x256xi32, #tpu.memory_space<vmem>>
      %gather3A_898 = tpu.memref_squeeze %gather3A_897 : memref<1x256xi32, #tpu.memory_space<vmem>> -> memref<256xi32, #tpu.memory_space<vmem>>
      %gather3A_899 = tpu.vector_load_idx %gather3A_898[%mul3A_894] : memref<256xi32, #tpu.memory_space<vmem>>[vector<16xi32>], vector<16xi32>,
      %add3A_900 = arith.constant 1 : i32
      %add3A_901 = vector.broadcast %add3A_900 : i32 to vector<16xi32>
      %add3A_902 = arith.addi %mul3A_894, %add3A_901 : vector<16xi32>
      %gather3A_903 = arith.constant 3 : i32
      %gather3A_904 = arith.constant 0 : i32
      %gather3A_905 = tpu.memref_slice %arg5[%gather3A_903, %gather3A_904] : memref<4x256xi32, #tpu.memory_space<vmem>> -> memref<1x256xi32, #tpu.memory_space<vmem>>
      %gather3A_906 = tpu.memref_squeeze %gather3A_905 : memref<1x256xi32, #tpu.memory_space<vmem>> -> memref<256xi32, #tpu.memory_space<vmem>>
      %gather3A_907 = tpu.vector_load_idx %gather3A_906[%add3A_902] : memref<256xi32, #tpu.memory_space<vmem>>[vector<16xi32>], vector<16xi32>,
      %add3A_908 = arith.constant 2 : i32
      %add3A_909 = vector.broadcast %add3A_908 : i32 to vector<16xi32>
      %add3A_910 = arith.addi %mul3A_894, %add3A_909 : vector<16xi32>
      %gather3A_911 = arith.constant 3 : i32
      %gather3A_912 = arith.constant 0 : i32
      %gather3A_913 = tpu.memref_slice %arg5[%gather3A_911, %gather3A_912] : memref<4x256xi32, #tpu.memory_space<vmem>> -> memref<1x256xi32, #tpu.memory_space<vmem>>
      %gather3A_914 = tpu.memref_squeeze %gather3A_913 : memref<1x256xi32, #tpu.memory_space<vmem>> -> memref<256xi32, #tpu.memory_space<vmem>>
      %gather3A_915 = tpu.vector_load_idx %gather3A_914[%add3A_910] : memref<256xi32, #tpu.memory_space<vmem>>[vector<16xi32>], vector<16xi32>,
      %add3A_916 = arith.constant 3 : i32
      %add3A_917 = vector.broadcast %add3A_916 : i32 to vector<16xi32>
      %add3A_918 = arith.addi %mul3A_894, %add3A_917 : vector<16xi32>
      %gather3A_919 = arith.constant 3 : i32
      %gather3A_920 = arith.constant 0 : i32
      %gather3A_921 = tpu.memref_slice %arg5[%gather3A_919, %gather3A_920] : memref<4x256xi32, #tpu.memory_space<vmem>> -> memref<1x256xi32, #tpu.memory_space<vmem>>
      %gather3A_922 = tpu.memref_squeeze %gather3A_921 : memref<1x256xi32, #tpu.memory_space<vmem>> -> memref<256xi32, #tpu.memory_space<vmem>>
      %gather3A_923 = tpu.vector_load_idx %gather3A_922[%add3A_918] : memref<256xi32, #tpu.memory_space<vmem>>[vector<16xi32>], vector<16xi32>,
      %mul3A_924 = arith.constant 5 : i32
      %mul3A_925 = vector.broadcast %mul3A_924 : i32 to vector<16xi32>
      %mul3A_926 = arith.muli %gather3A_899, %mul3A_925 : vector<16xi32>
      %add3A_927 = arith.addi %mul3A_926, %gather3A_907 : vector<16xi32>
      %mul3A_928 = arith.constant 5 : i32
      %mul3A_929 = vector.broadcast %mul3A_928 : i32 to vector<16xi32>
      %mul3A_930 = arith.muli %add3A_927, %mul3A_929 : vector<16xi32>
      %add3A_931 = arith.addi %mul3A_930, %gather3A_915 : vector<16xi32>
      %mul3A_932 = arith.constant 5 : i32
      %mul3A_933 = vector.broadcast %mul3A_932 : i32 to vector<16xi32>
      %mul3A_934 = arith.muli %add3A_931, %mul3A_933 : vector<16xi32>
      %add3A_935 = arith.addi %mul3A_934, %gather3A_923 : vector<16xi32>
      %swap3A_936 = arith.constant 3 : i32
      %swap3A_937 = arith.index_cast %swap3A_936 : i32 to index
      %swap3A_938 = arith.constant 0 : index
      %swap3A_939 = tpu.vector_load %arg6[%swap3A_937, %swap3A_938] {strides = array<i32>} : memref<4x64xi32, #tpu.memory_space<vmem>>, vector<16xi32>,
      tpu.vector_store %arg6[%swap3A_937, %swap3A_938], %add3A_935 {strides = array<i32>} : memref<4x64xi32, #tpu.memory_space<vmem>>, vector<16xi32>,
      %iota3A_940 = tpu.iota {dimensions = array<i32: 0>} : vector<16xi32>
      %add3A_941 = arith.constant 16 : i32
      %add3A_942 = vector.broadcast %add3A_941 : i32 to vector<16xi32>
      %add3A_943 = arith.addi %iota3A_940, %add3A_942 : vector<16xi32>
      %mul3A_944 = arith.constant 4 : i32
      %mul3A_945 = vector.broadcast %mul3A_944 : i32 to vector<16xi32>
      %mul3A_946 = arith.muli %add3A_943, %mul3A_945 : vector<16xi32>
      %gather3A_947 = arith.constant 3 : i32
      %gather3A_948 = arith.constant 0 : i32
      %gather3A_949 = tpu.memref_slice %arg5[%gather3A_947, %gather3A_948] : memref<4x256xi32, #tpu.memory_space<vmem>> -> memref<1x256xi32, #tpu.memory_space<vmem>>
      %gather3A_950 = tpu.memref_squeeze %gather3A_949 : memref<1x256xi32, #tpu.memory_space<vmem>> -> memref<256xi32, #tpu.memory_space<vmem>>
      %gather3A_951 = tpu.vector_load_idx %gather3A_950[%mul3A_946] : memref<256xi32, #tpu.memory_space<vmem>>[vector<16xi32>], vector<16xi32>,
      %add3A_952 = arith.constant 1 : i32
      %add3A_953 = vector.broadcast %add3A_952 : i32 to vector<16xi32>
      %add3A_954 = arith.addi %mul3A_946, %add3A_953 : vector<16xi32>
      %gather3A_955 = arith.constant 3 : i32
      %gather3A_956 = arith.constant 0 : i32
      %gather3A_957 = tpu.memref_slice %arg5[%gather3A_955, %gather3A_956] : memref<4x256xi32, #tpu.memory_space<vmem>> -> memref<1x256xi32, #tpu.memory_space<vmem>>
      %gather3A_958 = tpu.memref_squeeze %gather3A_957 : memref<1x256xi32, #tpu.memory_space<vmem>> -> memref<256xi32, #tpu.memory_space<vmem>>
      %gather3A_959 = tpu.vector_load_idx %gather3A_958[%add3A_954] : memref<256xi32, #tpu.memory_space<vmem>>[vector<16xi32>], vector<16xi32>,
      %add3A_960 = arith.constant 2 : i32
      %add3A_961 = vector.broadcast %add3A_960 : i32 to vector<16xi32>
      %add3A_962 = arith.addi %mul3A_946, %add3A_961 : vector<16xi32>
      %gather3A_963 = arith.constant 3 : i32
      %gather3A_964 = arith.constant 0 : i32
      %gather3A_965 = tpu.memref_slice %arg5[%gather3A_963, %gather3A_964] : memref<4x256xi32, #tpu.memory_space<vmem>> -> memref<1x256xi32, #tpu.memory_space<vmem>>
      %gather3A_966 = tpu.memref_squeeze %gather3A_965 : memref<1x256xi32, #tpu.memory_space<vmem>> -> memref<256xi32, #tpu.memory_space<vmem>>
      %gather3A_967 = tpu.vector_load_idx %gather3A_966[%add3A_962] : memref<256xi32, #tpu.memory_space<vmem>>[vector<16xi32>], vector<16xi32>,
      %add3A_968 = arith.constant 3 : i32
      %add3A_969 = vector.broadcast %add3A_968 : i32 to vector<16xi32>
      %add3A_970 = arith.addi %mul3A_946, %add3A_969 : vector<16xi32>
      %gather3A_971 = arith.constant 3 : i32
      %gather3A_972 = arith.constant 0 : i32
      %gather3A_973 = tpu.memref_slice %arg5[%gather3A_971, %gather3A_972] : memref<4x256xi32, #tpu.memory_space<vmem>> -> memref<1x256xi32, #tpu.memory_space<vmem>>
      %gather3A_974 = tpu.memref_squeeze %gather3A_973 : memref<1x256xi32, #tpu.memory_space<vmem>> -> memref<256xi32, #tpu.memory_space<vmem>>
      %gather3A_975 = tpu.vector_load_idx %gather3A_974[%add3A_970] : memref<256xi32, #tpu.memory_space<vmem>>[vector<16xi32>], vector<16xi32>,
      %mul3A_976 = arith.constant 5 : i32
      %mul3A_977 = vector.broadcast %mul3A_976 : i32 to vector<16xi32>
      %mul3A_978 = arith.muli %gather3A_951, %mul3A_977 : vector<16xi32>
      %add3A_979 = arith.addi %mul3A_978, %gather3A_959 : vector<16xi32>
      %mul3A_980 = arith.constant 5 : i32
      %mul3A_981 = vector.broadcast %mul3A_980 : i32 to vector<16xi32>
      %mul3A_982 = arith.muli %add3A_979, %mul3A_981 : vector<16xi32>
      %add3A_983 = arith.addi %mul3A_982, %gather3A_967 : vector<16xi32>
      %mul3A_984 = arith.constant 5 : i32
      %mul3A_985 = vector.broadcast %mul3A_984 : i32 to vector<16xi32>
      %mul3A_986 = arith.muli %add3A_983, %mul3A_985 : vector<16xi32>
      %add3A_987 = arith.addi %mul3A_986, %gather3A_975 : vector<16xi32>
      %swap3A_988 = arith.constant 3 : i32
      %swap3A_989 = arith.index_cast %swap3A_988 : i32 to index
      %swap3A_990 = arith.constant 16 : index
      %swap3A_991 = tpu.vector_load %arg6[%swap3A_989, %swap3A_990] {strides = array<i32>} : memref<4x64xi32, #tpu.memory_space<vmem>>, vector<16xi32>,
      tpu.vector_store %arg6[%swap3A_989, %swap3A_990], %add3A_987 {strides = array<i32>} : memref<4x64xi32, #tpu.memory_space<vmem>>, vector<16xi32>,
      %iota3A_992 = tpu.iota {dimensions = array<i32: 0>} : vector<16xi32>
      %add3A_993 = arith.constant 32 : i32
      %add3A_994 = vector.broadcast %add3A_993 : i32 to vector<16xi32>
      %add3A_995 = arith.addi %iota3A_992, %add3A_994 : vector<16xi32>
      %mul3A_996 = arith.constant 4 : i32
      %mul3A_997 = vector.broadcast %mul3A_996 : i32 to vector<16xi32>
      %mul3A_998 = arith.muli %add3A_995, %mul3A_997 : vector<16xi32>
      %gather3A_999 = arith.constant 3 : i32
      %gather3A_1000 = arith.constant 0 : i32
      %gather3A_1001 = tpu.memref_slice %arg5[%gather3A_999, %gather3A_1000] : memref<4x256xi32, #tpu.memory_space<vmem>> -> memref<1x256xi32, #tpu.memory_space<vmem>>
      %gather3A_1002 = tpu.memref_squeeze %gather3A_1001 : memref<1x256xi32, #tpu.memory_space<vmem>> -> memref<256xi32, #tpu.memory_space<vmem>>
      %gather3A_1003 = tpu.vector_load_idx %gather3A_1002[%mul3A_998] : memref<256xi32, #tpu.memory_space<vmem>>[vector<16xi32>], vector<16xi32>,
      %add3A_1004 = arith.constant 1 : i32
      %add3A_1005 = vector.broadcast %add3A_1004 : i32 to vector<16xi32>
      %add3A_1006 = arith.addi %mul3A_998, %add3A_1005 : vector<16xi32>
      %gather3A_1007 = arith.constant 3 : i32
      %gather3A_1008 = arith.constant 0 : i32
      %gather3A_1009 = tpu.memref_slice %arg5[%gather3A_1007, %gather3A_1008] : memref<4x256xi32, #tpu.memory_space<vmem>> -> memref<1x256xi32, #tpu.memory_space<vmem>>
      %gather3A_1010 = tpu.memref_squeeze %gather3A_1009 : memref<1x256xi32, #tpu.memory_space<vmem>> -> memref<256xi32, #tpu.memory_space<vmem>>
      %gather3A_1011 = tpu.vector_load_idx %gather3A_1010[%add3A_1006] : memref<256xi32, #tpu.memory_space<vmem>>[vector<16xi32>], vector<16xi32>,
      %add3A_1012 = arith.constant 2 : i32
      %add3A_1013 = vector.broadcast %add3A_1012 : i32 to vector<16xi32>
      %add3A_1014 = arith.addi %mul3A_998, %add3A_1013 : vector<16xi32>
      %gather3A_1015 = arith.constant 3 : i32
      %gather3A_1016 = arith.constant 0 : i32
      %gather3A_1017 = tpu.memref_slice %arg5[%gather3A_1015, %gather3A_1016] : memref<4x256xi32, #tpu.memory_space<vmem>> -> memref<1x256xi32, #tpu.memory_space<vmem>>
      %gather3A_1018 = tpu.memref_squeeze %gather3A_1017 : memref<1x256xi32, #tpu.memory_space<vmem>> -> memref<256xi32, #tpu.memory_space<vmem>>
      %gather3A_1019 = tpu.vector_load_idx %gather3A_1018[%add3A_1014] : memref<256xi32, #tpu.memory_space<vmem>>[vector<16xi32>], vector<16xi32>,
      %add3A_1020 = arith.constant 3 : i32
      %add3A_1021 = vector.broadcast %add3A_1020 : i32 to vector<16xi32>
      %add3A_1022 = arith.addi %mul3A_998, %add3A_1021 : vector<16xi32>
      %gather3A_1023 = arith.constant 3 : i32
      %gather3A_1024 = arith.constant 0 : i32
      %gather3A_1025 = tpu.memref_slice %arg5[%gather3A_1023, %gather3A_1024] : memref<4x256xi32, #tpu.memory_space<vmem>> -> memref<1x256xi32, #tpu.memory_space<vmem>>
      %gather3A_1026 = tpu.memref_squeeze %gather3A_1025 : memref<1x256xi32, #tpu.memory_space<vmem>> -> memref<256xi32, #tpu.memory_space<vmem>>
      %gather3A_1027 = tpu.vector_load_idx %gather3A_1026[%add3A_1022] : memref<256xi32, #tpu.memory_space<vmem>>[vector<16xi32>], vector<16xi32>,
      %mul3A_1028 = arith.constant 5 : i32
      %mul3A_1029 = vector.broadcast %mul3A_1028 : i32 to vector<16xi32>
      %mul3A_1030 = arith.muli %gather3A_1003, %mul3A_1029 : vector<16xi32>
      %add3A_1031 = arith.addi %mul3A_1030, %gather3A_1011 : vector<16xi32>
      %mul3A_1032 = arith.constant 5 : i32
      %mul3A_1033 = vector.broadcast %mul3A_1032 : i32 to vector<16xi32>
      %mul3A_1034 = arith.muli %add3A_1031, %mul3A_1033 : vector<16xi32>
      %add3A_1035 = arith.addi %mul3A_1034, %gather3A_1019 : vector<16xi32>
      %mul3A_1036 = arith.constant 5 : i32
      %mul3A_1037 = vector.broadcast %mul3A_1036 : i32 to vector<16xi32>
      %mul3A_1038 = arith.muli %add3A_1035, %mul3A_1037 : vector<16xi32>
      %add3A_1039 = arith.addi %mul3A_1038, %gather3A_1027 : vector<16xi32>
      %swap3A_1040 = arith.constant 3 : i32
      %swap3A_1041 = arith.index_cast %swap3A_1040 : i32 to index
      %swap3A_1042 = arith.constant 32 : index
      %swap3A_1043 = tpu.vector_load %arg6[%swap3A_1041, %swap3A_1042] {strides = array<i32>} : memref<4x64xi32, #tpu.memory_space<vmem>>, vector<16xi32>,
      tpu.vector_store %arg6[%swap3A_1041, %swap3A_1042], %add3A_1039 {strides = array<i32>} : memref<4x64xi32, #tpu.memory_space<vmem>>, vector<16xi32>,
      %iota3A_1044 = tpu.iota {dimensions = array<i32: 0>} : vector<16xi32>
      %add3A_1045 = arith.constant 48 : i32
      %add3A_1046 = vector.broadcast %add3A_1045 : i32 to vector<16xi32>
      %add3A_1047 = arith.addi %iota3A_1044, %add3A_1046 : vector<16xi32>
      %mul3A_1048 = arith.constant 4 : i32
      %mul3A_1049 = vector.broadcast %mul3A_1048 : i32 to vector<16xi32>
      %mul3A_1050 = arith.muli %add3A_1047, %mul3A_1049 : vector<16xi32>
      %gather3A_1051 = arith.constant 3 : i32
      %gather3A_1052 = arith.constant 0 : i32
      %gather3A_1053 = tpu.memref_slice %arg5[%gather3A_1051, %gather3A_1052] : memref<4x256xi32, #tpu.memory_space<vmem>> -> memref<1x256xi32, #tpu.memory_space<vmem>>
      %gather3A_1054 = tpu.memref_squeeze %gather3A_1053 : memref<1x256xi32, #tpu.memory_space<vmem>> -> memref<256xi32, #tpu.memory_space<vmem>>
      %gather3A_1055 = tpu.vector_load_idx %gather3A_1054[%mul3A_1050] : memref<256xi32, #tpu.memory_space<vmem>>[vector<16xi32>], vector<16xi32>,
      %add3A_1056 = arith.constant 1 : i32
      %add3A_1057 = vector.broadcast %add3A_1056 : i32 to vector<16xi32>
      %add3A_1058 = arith.addi %mul3A_1050, %add3A_1057 : vector<16xi32>
      %gather3A_1059 = arith.constant 3 : i32
      %gather3A_1060 = arith.constant 0 : i32
      %gather3A_1061 = tpu.memref_slice %arg5[%gather3A_1059, %gather3A_1060] : memref<4x256xi32, #tpu.memory_space<vmem>> -> memref<1x256xi32, #tpu.memory_space<vmem>>
      %gather3A_1062 = tpu.memref_squeeze %gather3A_1061 : memref<1x256xi32, #tpu.memory_space<vmem>> -> memref<256xi32, #tpu.memory_space<vmem>>
      %gather3A_1063 = tpu.vector_load_idx %gather3A_1062[%add3A_1058] : memref<256xi32, #tpu.memory_space<vmem>>[vector<16xi32>], vector<16xi32>,
      %add3A_1064 = arith.constant 2 : i32
      %add3A_1065 = vector.broadcast %add3A_1064 : i32 to vector<16xi32>
      %add3A_1066 = arith.addi %mul3A_1050, %add3A_1065 : vector<16xi32>
      %gather3A_1067 = arith.constant 3 : i32
      %gather3A_1068 = arith.constant 0 : i32
      %gather3A_1069 = tpu.memref_slice %arg5[%gather3A_1067, %gather3A_1068] : memref<4x256xi32, #tpu.memory_space<vmem>> -> memref<1x256xi32, #tpu.memory_space<vmem>>
      %gather3A_1070 = tpu.memref_squeeze %gather3A_1069 : memref<1x256xi32, #tpu.memory_space<vmem>> -> memref<256xi32, #tpu.memory_space<vmem>>
      %gather3A_1071 = tpu.vector_load_idx %gather3A_1070[%add3A_1066] : memref<256xi32, #tpu.memory_space<vmem>>[vector<16xi32>], vector<16xi32>,
      %add3A_1072 = arith.constant 3 : i32
      %add3A_1073 = vector.broadcast %add3A_1072 : i32 to vector<16xi32>
      %add3A_1074 = arith.addi %mul3A_1050, %add3A_1073 : vector<16xi32>
      %gather3A_1075 = arith.constant 3 : i32
      %gather3A_1076 = arith.constant 0 : i32
      %gather3A_1077 = tpu.memref_slice %arg5[%gather3A_1075, %gather3A_1076] : memref<4x256xi32, #tpu.memory_space<vmem>> -> memref<1x256xi32, #tpu.memory_space<vmem>>
      %gather3A_1078 = tpu.memref_squeeze %gather3A_1077 : memref<1x256xi32, #tpu.memory_space<vmem>> -> memref<256xi32, #tpu.memory_space<vmem>>
      %gather3A_1079 = tpu.vector_load_idx %gather3A_1078[%add3A_1074] : memref<256xi32, #tpu.memory_space<vmem>>[vector<16xi32>], vector<16xi32>,
      %mul3A_1080 = arith.constant 5 : i32
      %mul3A_1081 = vector.broadcast %mul3A_1080 : i32 to vector<16xi32>
      %mul3A_1082 = arith.muli %gather3A_1055, %mul3A_1081 : vector<16xi32>
      %add3A_1083 = arith.addi %mul3A_1082, %gather3A_1063 : vector<16xi32>
      %mul3A_1084 = arith.constant 5 : i32
      %mul3A_1085 = vector.broadcast %mul3A_1084 : i32 to vector<16xi32>
      %mul3A_1086 = arith.muli %add3A_1083, %mul3A_1085 : vector<16xi32>
      %add3A_1087 = arith.addi %mul3A_1086, %gather3A_1071 : vector<16xi32>
      %mul3A_1088 = arith.constant 5 : i32
      %mul3A_1089 = vector.broadcast %mul3A_1088 : i32 to vector<16xi32>
      %mul3A_1090 = arith.muli %add3A_1087, %mul3A_1089 : vector<16xi32>
      %add3A_1091 = arith.addi %mul3A_1090, %gather3A_1079 : vector<16xi32>
      %swap3A_1092 = arith.constant 3 : i32
      %swap3A_1093 = arith.index_cast %swap3A_1092 : i32 to index
      %swap3A_1094 = arith.constant 48 : index
      %swap3A_1095 = tpu.vector_load %arg6[%swap3A_1093, %swap3A_1094] {strides = array<i32>} : memref<4x64xi32, #tpu.memory_space<vmem>>, vector<16xi32>,
      tpu.vector_store %arg6[%swap3A_1093, %swap3A_1094], %add3A_1091 {strides = array<i32>} : memref<4x64xi32, #tpu.memory_space<vmem>>, vector<16xi32>,
      %dma_start3A_1096 = arith.constant 3 : i32
      %dma_start3A_1097 = arith.constant 3 : i32
      %dma_start3A_1098 = arith.constant 3 : i32
      %dma_start3A_1099 = arith.constant 0 : i32
      %dma_start3A_1100 = arith.constant 0 : i32
      %dma_start3A_1101 = tpu.memref_slice %arg7[%dma_start3A_1097, %dma_start3A_1099, %dma_start3A_1100] : memref<4x64x256xf32, #tpu.memory_space<vmem>> -> memref<1x64x256xf32, #tpu.memory_space<vmem>>
      %dma_start3A_1102 = tpu.memref_squeeze %dma_start3A_1101 : memref<1x64x256xf32, #tpu.memory_space<vmem>> -> memref<64x256xf32, #tpu.memory_space<vmem>>
      %dma_start3A_1103 = arith.constant 0 : i32
      %dma_start3A_1104 = tpu.memref_slice %arg6[%dma_start3A_1096, %dma_start3A_1103] : memref<4x64xi32, #tpu.memory_space<vmem>> -> memref<1x64xi32, #tpu.memory_space<vmem>>
      %dma_start3A_1105 = tpu.memref_squeeze %dma_start3A_1104 : memref<1x64xi32, #tpu.memory_space<vmem>> -> memref<64xi32, #tpu.memory_space<vmem>>
      %dma_start3A_1106 = arith.constant 0 : i32
      %dma_start3A_1107 = arith.constant 0 : i32
      %dma_start3A_1108 = tpu.memref_slice %arg8[%dma_start3A_1106, %dma_start3A_1107] : memref<632x256xf32, #tpu.memory_space<vmem_shared>> -> memref<632x256xf32, #tpu.memory_space<vmem_shared>>
      %dma_start3A_1109 = tpu.memref_slice %arg10[%dma_start3A_1098] : memref<4x!tpu.dma_semaphore, #tpu.memory_space<semaphore_mem>> -> memref<1x!tpu.dma_semaphore, #tpu.memory_space<semaphore_mem>>
      %dma_start3A_1110 = tpu.memref_squeeze %dma_start3A_1109 : memref<1x!tpu.dma_semaphore, #tpu.memory_space<semaphore_mem>> -> memref<!tpu.dma_semaphore, #tpu.memory_space<semaphore_mem>>
      tpu.enqueue_indirect_dma source(%dma_start3A_1108 : memref<632x256xf32, #tpu.memory_space<vmem_shared>>) target(%dma_start3A_1102 : memref<64x256xf32, #tpu.memory_space<vmem>>) offsets(%dma_start3A_1105 : memref<64xi32, #tpu.memory_space<vmem>>) semaphore(%dma_start3A_1110 : memref<!tpu.dma_semaphore, #tpu.memory_space<semaphore_mem>>)
      %dma_wait3A_1111 = arith.constant 0 : i32
      %dma_wait3A_1112 = arith.constant 0 : i32
      %dma_wait3A_1113 = arith.constant 0 : i32
      %dma_wait3A_1114 = arith.constant 0 : i32
      %dma_wait3A_1115 = arith.constant 0 : i32
      %dma_wait3A_1116 = tpu.memref_slice %arg7[%dma_wait3A_1112, %dma_wait3A_1114, %dma_wait3A_1115] : memref<4x64x256xf32, #tpu.memory_space<vmem>> -> memref<1x64x256xf32, #tpu.memory_space<vmem>>
      %dma_wait3A_1117 = tpu.memref_squeeze %dma_wait3A_1116 : memref<1x64x256xf32, #tpu.memory_space<vmem>> -> memref<64x256xf32, #tpu.memory_space<vmem>>
      %dma_wait3A_1118 = arith.constant 0 : i32
      %dma_wait3A_1119 = tpu.memref_slice %arg6[%dma_wait3A_1111, %dma_wait3A_1118] : memref<4x64xi32, #tpu.memory_space<vmem>> -> memref<1x64xi32, #tpu.memory_space<vmem>>
      %dma_wait3A_1120 = tpu.memref_squeeze %dma_wait3A_1119 : memref<1x64xi32, #tpu.memory_space<vmem>> -> memref<64xi32, #tpu.memory_space<vmem>>
      %dma_wait3A_1121 = arith.constant 0 : i32
      %dma_wait3A_1122 = arith.constant 0 : i32
      %dma_wait3A_1123 = tpu.memref_slice %arg8[%dma_wait3A_1121, %dma_wait3A_1122] : memref<632x256xf32, #tpu.memory_space<vmem_shared>> -> memref<632x256xf32, #tpu.memory_space<vmem_shared>>
      %dma_wait3A_1124 = tpu.memref_slice %arg10[%dma_wait3A_1113] : memref<4x!tpu.dma_semaphore, #tpu.memory_space<semaphore_mem>> -> memref<1x!tpu.dma_semaphore, #tpu.memory_space<semaphore_mem>>
      %dma_wait3A_1125 = tpu.memref_squeeze %dma_wait3A_1124 : memref<1x!tpu.dma_semaphore, #tpu.memory_space<semaphore_mem>> -> memref<!tpu.dma_semaphore, #tpu.memory_space<semaphore_mem>>
      tpu.wait_indirect_dma semaphore(%dma_wait3A_1125 : memref<!tpu.dma_semaphore, #tpu.memory_space<semaphore_mem>>) src(%dma_wait3A_1123 : memref<632x256xf32, #tpu.memory_space<vmem_shared>>) dst(%dma_wait3A_1117 : memref<64x256xf32, #tpu.memory_space<vmem>>)
      %add3A_1126 = arith.constant 0 : i32
      %add3A_1127 = arith.addi %add3A_143, %add3A_1126 : i32
      %dma_start3A_1128 = arith.constant 0 : i32
      %dma_start3A_1129 = arith.constant 0 : i32
      %dma_start3A_1130 = arith.constant 0 : i32
      %dma_start3A_1131 = arith.constant 0 : i32
      %dma_start3A_1132 = tpu.memref_slice %arg7[%dma_start3A_1128, %dma_start3A_1130, %dma_start3A_1131] : memref<4x64x256xf32, #tpu.memory_space<vmem>> -> memref<1x64x256xf32, #tpu.memory_space<vmem>>
      %dma_start3A_1133 = tpu.memref_squeeze %dma_start3A_1132 : memref<1x64x256xf32, #tpu.memory_space<vmem>> -> memref<64x256xf32, #tpu.memory_space<vmem>>
      %dma_start3A_1134 = arith.constant 0 : i32
      %dma_start3A_1135 = tpu.memref_slice %arg4[%add3A_1127, %dma_start3A_1134] : memref<262144x256xf32, #tpu.memory_space<hbm>> -> memref<64x256xf32, #tpu.memory_space<hbm>>
      %dma_start3A_1136 = tpu.memref_slice %arg11[%dma_start3A_1129] : memref<4x!tpu.dma_semaphore, #tpu.memory_space<semaphore_mem>> -> memref<1x!tpu.dma_semaphore, #tpu.memory_space<semaphore_mem>>
      %dma_start3A_1137 = tpu.memref_squeeze %dma_start3A_1136 : memref<1x!tpu.dma_semaphore, #tpu.memory_space<semaphore_mem>> -> memref<!tpu.dma_semaphore, #tpu.memory_space<semaphore_mem>>
      %dma_start3A_1138 = arith.constant 0 : i32
      %dma_start3A_1139 = tpu.memref_slice %arg4[%add3A_1127, %dma_start3A_1138] : memref<262144x256xf32, #tpu.memory_space<hbm>> -> memref<64x256xf32, #tpu.memory_space<hbm>>
      %dma_start3A_1140 = arith.constant 0 : i32
      %dma_start3A_1141 = arith.constant 0 : i32
      %dma_start3A_1142 = tpu.memref_slice %arg7[%dma_start3A_1128, %dma_start3A_1140, %dma_start3A_1141] : memref<4x64x256xf32, #tpu.memory_space<vmem>> -> memref<1x64x256xf32, #tpu.memory_space<vmem>>
      %dma_start3A_1143 = tpu.memref_squeeze %dma_start3A_1142 : memref<1x64x256xf32, #tpu.memory_space<vmem>> -> memref<64x256xf32, #tpu.memory_space<vmem>>
      tpu.enqueue_dma source(%dma_start3A_1143 : memref<64x256xf32, #tpu.memory_space<vmem>>) target(%dma_start3A_1139 : memref<64x256xf32, #tpu.memory_space<hbm>>) target_semaphore(%dma_start3A_1137 : memref<!tpu.dma_semaphore, #tpu.memory_space<semaphore_mem>>)
      %add3A_1144 = arith.constant 1 : i32
      %add3A_1145 = arith.addi %scan3A_140, %add3A_1144 : i32
      %lt3A = arith.constant 32 : i32
      %lt3A_1146 = arith.cmpi slt, %add3A_1145, %lt3A : i32
      %convert_element_type3A_1147 = arith.extui %lt3A_1146 : i1 to i32
      %cond3A_1148 = arith.constant 0 : i32
      %cond3A_1149 = arith.cmpi ne, %convert_element_type3A_1147, %cond3A_1148 : i32
      scf.if %cond3A_1149 {
        %add3A_1270 = arith.constant 1024 : i32
        %add3A_1271 = arith.addi %add3A_146, %add3A_1270 : i32
        %add3A_1272 = arith.constant 0 : i32
        %add3A_1273 = arith.addi %add3A_1271, %add3A_1272 : i32
        %dma_start3A_1274 = arith.constant 0 : i32
        %dma_start3A_1275 = arith.constant 0 : i32
        %dma_start3A_1276 = arith.constant 0 : i32
        %dma_start3A_1277 = tpu.memref_slice %arg5[%dma_start3A_1274, %dma_start3A_1276] : memref<4x256xi32, #tpu.memory_space<vmem>> -> memref<1x256xi32, #tpu.memory_space<vmem>>
        %dma_start3A_1278 = tpu.memref_squeeze %dma_start3A_1277 : memref<1x256xi32, #tpu.memory_space<vmem>> -> memref<256xi32, #tpu.memory_space<vmem>>
        %dma_start3A_1279 = tpu.memref_slice %arg2[%add3A_1273] : memref<1048576xi32, #tpu.memory_space<hbm>> -> memref<256xi32, #tpu.memory_space<hbm>>
        %dma_start3A_1280 = tpu.memref_slice %arg9[%dma_start3A_1275] : memref<4x!tpu.dma_semaphore, #tpu.memory_space<semaphore_mem>> -> memref<1x!tpu.dma_semaphore, #tpu.memory_space<semaphore_mem>>
        %dma_start3A_1281 = tpu.memref_squeeze %dma_start3A_1280 : memref<1x!tpu.dma_semaphore, #tpu.memory_space<semaphore_mem>> -> memref<!tpu.dma_semaphore, #tpu.memory_space<semaphore_mem>>
        %dma_start3A_1282 = arith.constant 0 : i32
        %dma_start3A_1283 = tpu.memref_slice %arg5[%dma_start3A_1274, %dma_start3A_1282] : memref<4x256xi32, #tpu.memory_space<vmem>> -> memref<1x256xi32, #tpu.memory_space<vmem>>
        %dma_start3A_1284 = tpu.memref_squeeze %dma_start3A_1283 : memref<1x256xi32, #tpu.memory_space<vmem>> -> memref<256xi32, #tpu.memory_space<vmem>>
        %dma_start3A_1285 = tpu.memref_slice %arg2[%add3A_1273] : memref<1048576xi32, #tpu.memory_space<hbm>> -> memref<256xi32, #tpu.memory_space<hbm>>
        tpu.enqueue_dma source(%dma_start3A_1285 : memref<256xi32, #tpu.memory_space<hbm>>) target(%dma_start3A_1284 : memref<256xi32, #tpu.memory_space<vmem>>) target_semaphore(%dma_start3A_1281 : memref<!tpu.dma_semaphore, #tpu.memory_space<semaphore_mem>>)
      } else {
      }
      %dma_wait3A_1150 = arith.constant 1 : i32
      %dma_wait3A_1151 = arith.constant 1 : i32
      %dma_wait3A_1152 = arith.constant 1 : i32
      %dma_wait3A_1153 = arith.constant 0 : i32
      %dma_wait3A_1154 = arith.constant 0 : i32
      %dma_wait3A_1155 = tpu.memref_slice %arg7[%dma_wait3A_1151, %dma_wait3A_1153, %dma_wait3A_1154] : memref<4x64x256xf32, #tpu.memory_space<vmem>> -> memref<1x64x256xf32, #tpu.memory_space<vmem>>
      %dma_wait3A_1156 = tpu.memref_squeeze %dma_wait3A_1155 : memref<1x64x256xf32, #tpu.memory_space<vmem>> -> memref<64x256xf32, #tpu.memory_space<vmem>>
      %dma_wait3A_1157 = arith.constant 0 : i32
      %dma_wait3A_1158 = tpu.memref_slice %arg6[%dma_wait3A_1150, %dma_wait3A_1157] : memref<4x64xi32, #tpu.memory_space<vmem>> -> memref<1x64xi32, #tpu.memory_space<vmem>>
      %dma_wait3A_1159 = tpu.memref_squeeze %dma_wait3A_1158 : memref<1x64xi32, #tpu.memory_space<vmem>> -> memref<64xi32, #tpu.memory_space<vmem>>
      %dma_wait3A_1160 = arith.constant 0 : i32
      %dma_wait3A_1161 = arith.constant 0 : i32
      %dma_wait3A_1162 = tpu.memref_slice %arg8[%dma_wait3A_1160, %dma_wait3A_1161] : memref<632x256xf32, #tpu.memory_space<vmem_shared>> -> memref<632x256xf32, #tpu.memory_space<vmem_shared>>
      %dma_wait3A_1163 = tpu.memref_slice %arg10[%dma_wait3A_1152] : memref<4x!tpu.dma_semaphore, #tpu.memory_space<semaphore_mem>> -> memref<1x!tpu.dma_semaphore, #tpu.memory_space<semaphore_mem>>
      %dma_wait3A_1164 = tpu.memref_squeeze %dma_wait3A_1163 : memref<1x!tpu.dma_semaphore, #tpu.memory_space<semaphore_mem>> -> memref<!tpu.dma_semaphore, #tpu.memory_space<semaphore_mem>>
      tpu.wait_indirect_dma semaphore(%dma_wait3A_1164 : memref<!tpu.dma_semaphore, #tpu.memory_space<semaphore_mem>>) src(%dma_wait3A_1162 : memref<632x256xf32, #tpu.memory_space<vmem_shared>>) dst(%dma_wait3A_1156 : memref<64x256xf32, #tpu.memory_space<vmem>>)
      %add3A_1165 = arith.constant 64 : i32
      %add3A_1166 = arith.addi %add3A_143, %add3A_1165 : i32
      %dma_start3A_1167 = arith.constant 1 : i32
      %dma_start3A_1168 = arith.constant 1 : i32
      %dma_start3A_1169 = arith.constant 0 : i32
      %dma_start3A_1170 = arith.constant 0 : i32
      %dma_start3A_1171 = tpu.memref_slice %arg7[%dma_start3A_1167, %dma_start3A_1169, %dma_start3A_1170] : memref<4x64x256xf32, #tpu.memory_space<vmem>> -> memref<1x64x256xf32, #tpu.memory_space<vmem>>
      %dma_start3A_1172 = tpu.memref_squeeze %dma_start3A_1171 : memref<1x64x256xf32, #tpu.memory_space<vmem>> -> memref<64x256xf32, #tpu.memory_space<vmem>>
      %dma_start3A_1173 = arith.constant 0 : i32
      %dma_start3A_1174 = tpu.memref_slice %arg4[%add3A_1166, %dma_start3A_1173] : memref<262144x256xf32, #tpu.memory_space<hbm>> -> memref<64x256xf32, #tpu.memory_space<hbm>>
      %dma_start3A_1175 = tpu.memref_slice %arg11[%dma_start3A_1168] : memref<4x!tpu.dma_semaphore, #tpu.memory_space<semaphore_mem>> -> memref<1x!tpu.dma_semaphore, #tpu.memory_space<semaphore_mem>>
      %dma_start3A_1176 = tpu.memref_squeeze %dma_start3A_1175 : memref<1x!tpu.dma_semaphore, #tpu.memory_space<semaphore_mem>> -> memref<!tpu.dma_semaphore, #tpu.memory_space<semaphore_mem>>
      %dma_start3A_1177 = arith.constant 0 : i32
      %dma_start3A_1178 = tpu.memref_slice %arg4[%add3A_1166, %dma_start3A_1177] : memref<262144x256xf32, #tpu.memory_space<hbm>> -> memref<64x256xf32, #tpu.memory_space<hbm>>
      %dma_start3A_1179 = arith.constant 0 : i32
      %dma_start3A_1180 = arith.constant 0 : i32
      %dma_start3A_1181 = tpu.memref_slice %arg7[%dma_start3A_1167, %dma_start3A_1179, %dma_start3A_1180] : memref<4x64x256xf32, #tpu.memory_space<vmem>> -> memref<1x64x256xf32, #tpu.memory_space<vmem>>
      %dma_start3A_1182 = tpu.memref_squeeze %dma_start3A_1181 : memref<1x64x256xf32, #tpu.memory_space<vmem>> -> memref<64x256xf32, #tpu.memory_space<vmem>>
      tpu.enqueue_dma source(%dma_start3A_1182 : memref<64x256xf32, #tpu.memory_space<vmem>>) target(%dma_start3A_1178 : memref<64x256xf32, #tpu.memory_space<hbm>>) target_semaphore(%dma_start3A_1176 : memref<!tpu.dma_semaphore, #tpu.memory_space<semaphore_mem>>)
      %add3A_1183 = arith.constant 1 : i32
      %add3A_1184 = arith.addi %scan3A_140, %add3A_1183 : i32
      %lt3A_1185 = arith.constant 32 : i32
      %lt3A_1186 = arith.cmpi slt, %add3A_1184, %lt3A_1185 : i32
      %convert_element_type3A_1187 = arith.extui %lt3A_1186 : i1 to i32
      %cond3A_1188 = arith.constant 0 : i32
      %cond3A_1189 = arith.cmpi ne, %convert_element_type3A_1187, %cond3A_1188 : i32
      scf.if %cond3A_1189 {
        %add3A_1270 = arith.constant 1024 : i32
        %add3A_1271 = arith.addi %add3A_146, %add3A_1270 : i32
        %add3A_1272 = arith.constant 256 : i32
        %add3A_1273 = arith.addi %add3A_1271, %add3A_1272 : i32
        %dma_start3A_1274 = arith.constant 1 : i32
        %dma_start3A_1275 = arith.constant 1 : i32
        %dma_start3A_1276 = arith.constant 0 : i32
        %dma_start3A_1277 = tpu.memref_slice %arg5[%dma_start3A_1274, %dma_start3A_1276] : memref<4x256xi32, #tpu.memory_space<vmem>> -> memref<1x256xi32, #tpu.memory_space<vmem>>
        %dma_start3A_1278 = tpu.memref_squeeze %dma_start3A_1277 : memref<1x256xi32, #tpu.memory_space<vmem>> -> memref<256xi32, #tpu.memory_space<vmem>>
        %dma_start3A_1279 = tpu.memref_slice %arg2[%add3A_1273] : memref<1048576xi32, #tpu.memory_space<hbm>> -> memref<256xi32, #tpu.memory_space<hbm>>
        %dma_start3A_1280 = tpu.memref_slice %arg9[%dma_start3A_1275] : memref<4x!tpu.dma_semaphore, #tpu.memory_space<semaphore_mem>> -> memref<1x!tpu.dma_semaphore, #tpu.memory_space<semaphore_mem>>
        %dma_start3A_1281 = tpu.memref_squeeze %dma_start3A_1280 : memref<1x!tpu.dma_semaphore, #tpu.memory_space<semaphore_mem>> -> memref<!tpu.dma_semaphore, #tpu.memory_space<semaphore_mem>>
        %dma_start3A_1282 = arith.constant 0 : i32
        %dma_start3A_1283 = tpu.memref_slice %arg5[%dma_start3A_1274, %dma_start3A_1282] : memref<4x256xi32, #tpu.memory_space<vmem>> -> memref<1x256xi32, #tpu.memory_space<vmem>>
        %dma_start3A_1284 = tpu.memref_squeeze %dma_start3A_1283 : memref<1x256xi32, #tpu.memory_space<vmem>> -> memref<256xi32, #tpu.memory_space<vmem>>
        %dma_start3A_1285 = tpu.memref_slice %arg2[%add3A_1273] : memref<1048576xi32, #tpu.memory_space<hbm>> -> memref<256xi32, #tpu.memory_space<hbm>>
        tpu.enqueue_dma source(%dma_start3A_1285 : memref<256xi32, #tpu.memory_space<hbm>>) target(%dma_start3A_1284 : memref<256xi32, #tpu.memory_space<vmem>>) target_semaphore(%dma_start3A_1281 : memref<!tpu.dma_semaphore, #tpu.memory_space<semaphore_mem>>)
      } else {
      }
      %dma_wait3A_1190 = arith.constant 2 : i32
      %dma_wait3A_1191 = arith.constant 2 : i32
      %dma_wait3A_1192 = arith.constant 2 : i32
      %dma_wait3A_1193 = arith.constant 0 : i32
      %dma_wait3A_1194 = arith.constant 0 : i32
      %dma_wait3A_1195 = tpu.memref_slice %arg7[%dma_wait3A_1191, %dma_wait3A_1193, %dma_wait3A_1194] : memref<4x64x256xf32, #tpu.memory_space<vmem>> -> memref<1x64x256xf32, #tpu.memory_space<vmem>>
      %dma_wait3A_1196 = tpu.memref_squeeze %dma_wait3A_1195 : memref<1x64x256xf32, #tpu.memory_space<vmem>> -> memref<64x256xf32, #tpu.memory_space<vmem>>
      %dma_wait3A_1197 = arith.constant 0 : i32
      %dma_wait3A_1198 = tpu.memref_slice %arg6[%dma_wait3A_1190, %dma_wait3A_1197] : memref<4x64xi32, #tpu.memory_space<vmem>> -> memref<1x64xi32, #tpu.memory_space<vmem>>
      %dma_wait3A_1199 = tpu.memref_squeeze %dma_wait3A_1198 : memref<1x64xi32, #tpu.memory_space<vmem>> -> memref<64xi32, #tpu.memory_space<vmem>>
      %dma_wait3A_1200 = arith.constant 0 : i32
      %dma_wait3A_1201 = arith.constant 0 : i32
      %dma_wait3A_1202 = tpu.memref_slice %arg8[%dma_wait3A_1200, %dma_wait3A_1201] : memref<632x256xf32, #tpu.memory_space<vmem_shared>> -> memref<632x256xf32, #tpu.memory_space<vmem_shared>>
      %dma_wait3A_1203 = tpu.memref_slice %arg10[%dma_wait3A_1192] : memref<4x!tpu.dma_semaphore, #tpu.memory_space<semaphore_mem>> -> memref<1x!tpu.dma_semaphore, #tpu.memory_space<semaphore_mem>>
      %dma_wait3A_1204 = tpu.memref_squeeze %dma_wait3A_1203 : memref<1x!tpu.dma_semaphore, #tpu.memory_space<semaphore_mem>> -> memref<!tpu.dma_semaphore, #tpu.memory_space<semaphore_mem>>
      tpu.wait_indirect_dma semaphore(%dma_wait3A_1204 : memref<!tpu.dma_semaphore, #tpu.memory_space<semaphore_mem>>) src(%dma_wait3A_1202 : memref<632x256xf32, #tpu.memory_space<vmem_shared>>) dst(%dma_wait3A_1196 : memref<64x256xf32, #tpu.memory_space<vmem>>)
      %add3A_1205 = arith.constant 128 : i32
      %add3A_1206 = arith.addi %add3A_143, %add3A_1205 : i32
      %dma_start3A_1207 = arith.constant 2 : i32
      %dma_start3A_1208 = arith.constant 2 : i32
      %dma_start3A_1209 = arith.constant 0 : i32
      %dma_start3A_1210 = arith.constant 0 : i32
      %dma_start3A_1211 = tpu.memref_slice %arg7[%dma_start3A_1207, %dma_start3A_1209, %dma_start3A_1210] : memref<4x64x256xf32, #tpu.memory_space<vmem>> -> memref<1x64x256xf32, #tpu.memory_space<vmem>>
      %dma_start3A_1212 = tpu.memref_squeeze %dma_start3A_1211 : memref<1x64x256xf32, #tpu.memory_space<vmem>> -> memref<64x256xf32, #tpu.memory_space<vmem>>
      %dma_start3A_1213 = arith.constant 0 : i32
      %dma_start3A_1214 = tpu.memref_slice %arg4[%add3A_1206, %dma_start3A_1213] : memref<262144x256xf32, #tpu.memory_space<hbm>> -> memref<64x256xf32, #tpu.memory_space<hbm>>
      %dma_start3A_1215 = tpu.memref_slice %arg11[%dma_start3A_1208] : memref<4x!tpu.dma_semaphore, #tpu.memory_space<semaphore_mem>> -> memref<1x!tpu.dma_semaphore, #tpu.memory_space<semaphore_mem>>
      %dma_start3A_1216 = tpu.memref_squeeze %dma_start3A_1215 : memref<1x!tpu.dma_semaphore, #tpu.memory_space<semaphore_mem>> -> memref<!tpu.dma_semaphore, #tpu.memory_space<semaphore_mem>>
      %dma_start3A_1217 = arith.constant 0 : i32
      %dma_start3A_1218 = tpu.memref_slice %arg4[%add3A_1206, %dma_start3A_1217] : memref<262144x256xf32, #tpu.memory_space<hbm>> -> memref<64x256xf32, #tpu.memory_space<hbm>>
      %dma_start3A_1219 = arith.constant 0 : i32
      %dma_start3A_1220 = arith.constant 0 : i32
      %dma_start3A_1221 = tpu.memref_slice %arg7[%dma_start3A_1207, %dma_start3A_1219, %dma_start3A_1220] : memref<4x64x256xf32, #tpu.memory_space<vmem>> -> memref<1x64x256xf32, #tpu.memory_space<vmem>>
      %dma_start3A_1222 = tpu.memref_squeeze %dma_start3A_1221 : memref<1x64x256xf32, #tpu.memory_space<vmem>> -> memref<64x256xf32, #tpu.memory_space<vmem>>
      tpu.enqueue_dma source(%dma_start3A_1222 : memref<64x256xf32, #tpu.memory_space<vmem>>) target(%dma_start3A_1218 : memref<64x256xf32, #tpu.memory_space<hbm>>) target_semaphore(%dma_start3A_1216 : memref<!tpu.dma_semaphore, #tpu.memory_space<semaphore_mem>>)
      %add3A_1223 = arith.constant 1 : i32
      %add3A_1224 = arith.addi %scan3A_140, %add3A_1223 : i32
      %lt3A_1225 = arith.constant 32 : i32
      %lt3A_1226 = arith.cmpi slt, %add3A_1224, %lt3A_1225 : i32
      %convert_element_type3A_1227 = arith.extui %lt3A_1226 : i1 to i32
      %cond3A_1228 = arith.constant 0 : i32
      %cond3A_1229 = arith.cmpi ne, %convert_element_type3A_1227, %cond3A_1228 : i32
      scf.if %cond3A_1229 {
        %add3A_1270 = arith.constant 1024 : i32
        %add3A_1271 = arith.addi %add3A_146, %add3A_1270 : i32
        %add3A_1272 = arith.constant 512 : i32
        %add3A_1273 = arith.addi %add3A_1271, %add3A_1272 : i32
        %dma_start3A_1274 = arith.constant 2 : i32
        %dma_start3A_1275 = arith.constant 2 : i32
        %dma_start3A_1276 = arith.constant 0 : i32
        %dma_start3A_1277 = tpu.memref_slice %arg5[%dma_start3A_1274, %dma_start3A_1276] : memref<4x256xi32, #tpu.memory_space<vmem>> -> memref<1x256xi32, #tpu.memory_space<vmem>>
        %dma_start3A_1278 = tpu.memref_squeeze %dma_start3A_1277 : memref<1x256xi32, #tpu.memory_space<vmem>> -> memref<256xi32, #tpu.memory_space<vmem>>
        %dma_start3A_1279 = tpu.memref_slice %arg2[%add3A_1273] : memref<1048576xi32, #tpu.memory_space<hbm>> -> memref<256xi32, #tpu.memory_space<hbm>>
        %dma_start3A_1280 = tpu.memref_slice %arg9[%dma_start3A_1275] : memref<4x!tpu.dma_semaphore, #tpu.memory_space<semaphore_mem>> -> memref<1x!tpu.dma_semaphore, #tpu.memory_space<semaphore_mem>>
        %dma_start3A_1281 = tpu.memref_squeeze %dma_start3A_1280 : memref<1x!tpu.dma_semaphore, #tpu.memory_space<semaphore_mem>> -> memref<!tpu.dma_semaphore, #tpu.memory_space<semaphore_mem>>
        %dma_start3A_1282 = arith.constant 0 : i32
        %dma_start3A_1283 = tpu.memref_slice %arg5[%dma_start3A_1274, %dma_start3A_1282] : memref<4x256xi32, #tpu.memory_space<vmem>> -> memref<1x256xi32, #tpu.memory_space<vmem>>
        %dma_start3A_1284 = tpu.memref_squeeze %dma_start3A_1283 : memref<1x256xi32, #tpu.memory_space<vmem>> -> memref<256xi32, #tpu.memory_space<vmem>>
        %dma_start3A_1285 = tpu.memref_slice %arg2[%add3A_1273] : memref<1048576xi32, #tpu.memory_space<hbm>> -> memref<256xi32, #tpu.memory_space<hbm>>
        tpu.enqueue_dma source(%dma_start3A_1285 : memref<256xi32, #tpu.memory_space<hbm>>) target(%dma_start3A_1284 : memref<256xi32, #tpu.memory_space<vmem>>) target_semaphore(%dma_start3A_1281 : memref<!tpu.dma_semaphore, #tpu.memory_space<semaphore_mem>>)
      } else {
      }
      %dma_wait3A_1230 = arith.constant 3 : i32
      %dma_wait3A_1231 = arith.constant 3 : i32
      %dma_wait3A_1232 = arith.constant 3 : i32
      %dma_wait3A_1233 = arith.constant 0 : i32
      %dma_wait3A_1234 = arith.constant 0 : i32
      %dma_wait3A_1235 = tpu.memref_slice %arg7[%dma_wait3A_1231, %dma_wait3A_1233, %dma_wait3A_1234] : memref<4x64x256xf32, #tpu.memory_space<vmem>> -> memref<1x64x256xf32, #tpu.memory_space<vmem>>
      %dma_wait3A_1236 = tpu.memref_squeeze %dma_wait3A_1235 : memref<1x64x256xf32, #tpu.memory_space<vmem>> -> memref<64x256xf32, #tpu.memory_space<vmem>>
      %dma_wait3A_1237 = arith.constant 0 : i32
      %dma_wait3A_1238 = tpu.memref_slice %arg6[%dma_wait3A_1230, %dma_wait3A_1237] : memref<4x64xi32, #tpu.memory_space<vmem>> -> memref<1x64xi32, #tpu.memory_space<vmem>>
      %dma_wait3A_1239 = tpu.memref_squeeze %dma_wait3A_1238 : memref<1x64xi32, #tpu.memory_space<vmem>> -> memref<64xi32, #tpu.memory_space<vmem>>
      %dma_wait3A_1240 = arith.constant 0 : i32
      %dma_wait3A_1241 = arith.constant 0 : i32
      %dma_wait3A_1242 = tpu.memref_slice %arg8[%dma_wait3A_1240, %dma_wait3A_1241] : memref<632x256xf32, #tpu.memory_space<vmem_shared>> -> memref<632x256xf32, #tpu.memory_space<vmem_shared>>
      %dma_wait3A_1243 = tpu.memref_slice %arg10[%dma_wait3A_1232] : memref<4x!tpu.dma_semaphore, #tpu.memory_space<semaphore_mem>> -> memref<1x!tpu.dma_semaphore, #tpu.memory_space<semaphore_mem>>
      %dma_wait3A_1244 = tpu.memref_squeeze %dma_wait3A_1243 : memref<1x!tpu.dma_semaphore, #tpu.memory_space<semaphore_mem>> -> memref<!tpu.dma_semaphore, #tpu.memory_space<semaphore_mem>>
      tpu.wait_indirect_dma semaphore(%dma_wait3A_1244 : memref<!tpu.dma_semaphore, #tpu.memory_space<semaphore_mem>>) src(%dma_wait3A_1242 : memref<632x256xf32, #tpu.memory_space<vmem_shared>>) dst(%dma_wait3A_1236 : memref<64x256xf32, #tpu.memory_space<vmem>>)
      %add3A_1245 = arith.constant 192 : i32
      %add3A_1246 = arith.addi %add3A_143, %add3A_1245 : i32
      %dma_start3A_1247 = arith.constant 3 : i32
      %dma_start3A_1248 = arith.constant 3 : i32
      %dma_start3A_1249 = arith.constant 0 : i32
      %dma_start3A_1250 = arith.constant 0 : i32
      %dma_start3A_1251 = tpu.memref_slice %arg7[%dma_start3A_1247, %dma_start3A_1249, %dma_start3A_1250] : memref<4x64x256xf32, #tpu.memory_space<vmem>> -> memref<1x64x256xf32, #tpu.memory_space<vmem>>
      %dma_start3A_1252 = tpu.memref_squeeze %dma_start3A_1251 : memref<1x64x256xf32, #tpu.memory_space<vmem>> -> memref<64x256xf32, #tpu.memory_space<vmem>>
      %dma_start3A_1253 = arith.constant 0 : i32
      %dma_start3A_1254 = tpu.memref_slice %arg4[%add3A_1246, %dma_start3A_1253] : memref<262144x256xf32, #tpu.memory_space<hbm>> -> memref<64x256xf32, #tpu.memory_space<hbm>>
      %dma_start3A_1255 = tpu.memref_slice %arg11[%dma_start3A_1248] : memref<4x!tpu.dma_semaphore, #tpu.memory_space<semaphore_mem>> -> memref<1x!tpu.dma_semaphore, #tpu.memory_space<semaphore_mem>>
      %dma_start3A_1256 = tpu.memref_squeeze %dma_start3A_1255 : memref<1x!tpu.dma_semaphore, #tpu.memory_space<semaphore_mem>> -> memref<!tpu.dma_semaphore, #tpu.memory_space<semaphore_mem>>
      %dma_start3A_1257 = arith.constant 0 : i32
      %dma_start3A_1258 = tpu.memref_slice %arg4[%add3A_1246, %dma_start3A_1257] : memref<262144x256xf32, #tpu.memory_space<hbm>> -> memref<64x256xf32, #tpu.memory_space<hbm>>
      %dma_start3A_1259 = arith.constant 0 : i32
      %dma_start3A_1260 = arith.constant 0 : i32
      %dma_start3A_1261 = tpu.memref_slice %arg7[%dma_start3A_1247, %dma_start3A_1259, %dma_start3A_1260] : memref<4x64x256xf32, #tpu.memory_space<vmem>> -> memref<1x64x256xf32, #tpu.memory_space<vmem>>
      %dma_start3A_1262 = tpu.memref_squeeze %dma_start3A_1261 : memref<1x64x256xf32, #tpu.memory_space<vmem>> -> memref<64x256xf32, #tpu.memory_space<vmem>>
      tpu.enqueue_dma source(%dma_start3A_1262 : memref<64x256xf32, #tpu.memory_space<vmem>>) target(%dma_start3A_1258 : memref<64x256xf32, #tpu.memory_space<hbm>>) target_semaphore(%dma_start3A_1256 : memref<!tpu.dma_semaphore, #tpu.memory_space<semaphore_mem>>)
      %add3A_1263 = arith.constant 1 : i32
      %add3A_1264 = arith.addi %scan3A_140, %add3A_1263 : i32
      %lt3A_1265 = arith.constant 32 : i32
      %lt3A_1266 = arith.cmpi slt, %add3A_1264, %lt3A_1265 : i32
      %convert_element_type3A_1267 = arith.extui %lt3A_1266 : i1 to i32
      %cond3A_1268 = arith.constant 0 : i32
      %cond3A_1269 = arith.cmpi ne, %convert_element_type3A_1267, %cond3A_1268 : i32
      scf.if %cond3A_1269 {
        %add3A_1270 = arith.constant 1024 : i32
        %add3A_1271 = arith.addi %add3A_146, %add3A_1270 : i32
        %add3A_1272 = arith.constant 768 : i32
        %add3A_1273 = arith.addi %add3A_1271, %add3A_1272 : i32
        %dma_start3A_1274 = arith.constant 3 : i32
        %dma_start3A_1275 = arith.constant 3 : i32
        %dma_start3A_1276 = arith.constant 0 : i32
        %dma_start3A_1277 = tpu.memref_slice %arg5[%dma_start3A_1274, %dma_start3A_1276] : memref<4x256xi32, #tpu.memory_space<vmem>> -> memref<1x256xi32, #tpu.memory_space<vmem>>
        %dma_start3A_1278 = tpu.memref_squeeze %dma_start3A_1277 : memref<1x256xi32, #tpu.memory_space<vmem>> -> memref<256xi32, #tpu.memory_space<vmem>>
        %dma_start3A_1279 = tpu.memref_slice %arg2[%add3A_1273] : memref<1048576xi32, #tpu.memory_space<hbm>> -> memref<256xi32, #tpu.memory_space<hbm>>
        %dma_start3A_1280 = tpu.memref_slice %arg9[%dma_start3A_1275] : memref<4x!tpu.dma_semaphore, #tpu.memory_space<semaphore_mem>> -> memref<1x!tpu.dma_semaphore, #tpu.memory_space<semaphore_mem>>
        %dma_start3A_1281 = tpu.memref_squeeze %dma_start3A_1280 : memref<1x!tpu.dma_semaphore, #tpu.memory_space<semaphore_mem>> -> memref<!tpu.dma_semaphore, #tpu.memory_space<semaphore_mem>>
        %dma_start3A_1282 = arith.constant 0 : i32
        %dma_start3A_1283 = tpu.memref_slice %arg5[%dma_start3A_1274, %dma_start3A_1282] : memref<4x256xi32, #tpu.memory_space<vmem>> -> memref<1x256xi32, #tpu.memory_space<vmem>>
        %dma_start3A_1284 = tpu.memref_squeeze %dma_start3A_1283 : memref<1x256xi32, #tpu.memory_space<vmem>> -> memref<256xi32, #tpu.memory_space<vmem>>
        %dma_start3A_1285 = tpu.memref_slice %arg2[%add3A_1273] : memref<1048576xi32, #tpu.memory_space<hbm>> -> memref<256xi32, #tpu.memory_space<hbm>>
        tpu.enqueue_dma source(%dma_start3A_1285 : memref<256xi32, #tpu.memory_space<hbm>>) target(%dma_start3A_1284 : memref<256xi32, #tpu.memory_space<vmem>>) target_semaphore(%dma_start3A_1281 : memref<!tpu.dma_semaphore, #tpu.memory_space<semaphore_mem>>)
      } else {
      }
    }
    %scan3A_66 = arith.constant 32 : i32
    %add3A_67 = arith.constant 7936 : i32
    %add3A_68 = arith.addi %mul3A_2, %add3A_67 : i32
    %add3A_69 = arith.constant 0 : i32
    %add3A_70 = arith.addi %add3A_68, %add3A_69 : i32
    %dma_wait3A = arith.constant 0 : i32
    %dma_wait3A_71 = arith.constant 0 : i32
    %dma_wait3A_72 = arith.constant 0 : i32
    %dma_wait3A_73 = arith.constant 0 : i32
    %dma_wait3A_74 = tpu.memref_slice %arg7[%dma_wait3A, %dma_wait3A_72, %dma_wait3A_73] : memref<4x64x256xf32, #tpu.memory_space<vmem>> -> memref<1x64x256xf32, #tpu.memory_space<vmem>>
    %dma_wait3A_75 = tpu.memref_squeeze %dma_wait3A_74 : memref<1x64x256xf32, #tpu.memory_space<vmem>> -> memref<64x256xf32, #tpu.memory_space<vmem>>
    %dma_wait3A_76 = arith.constant 0 : i32
    %dma_wait3A_77 = tpu.memref_slice %arg4[%add3A_70, %dma_wait3A_76] : memref<262144x256xf32, #tpu.memory_space<hbm>> -> memref<64x256xf32, #tpu.memory_space<hbm>>
    %dma_wait3A_78 = tpu.memref_slice %arg11[%dma_wait3A_71] : memref<4x!tpu.dma_semaphore, #tpu.memory_space<semaphore_mem>> -> memref<1x!tpu.dma_semaphore, #tpu.memory_space<semaphore_mem>>
    %dma_wait3A_79 = tpu.memref_squeeze %dma_wait3A_78 : memref<1x!tpu.dma_semaphore, #tpu.memory_space<semaphore_mem>> -> memref<!tpu.dma_semaphore, #tpu.memory_space<semaphore_mem>>
    %dma_wait3A_80 = arith.constant 0 : i32
    %dma_wait3A_81 = tpu.memref_slice %arg4[%add3A_70, %dma_wait3A_80] : memref<262144x256xf32, #tpu.memory_space<hbm>> -> memref<64x256xf32, #tpu.memory_space<hbm>>
    %dma_wait3A_82 = arith.constant 0 : i32
    %dma_wait3A_83 = arith.constant 0 : i32
    %dma_wait3A_84 = tpu.memref_slice %arg7[%dma_wait3A, %dma_wait3A_82, %dma_wait3A_83] : memref<4x64x256xf32, #tpu.memory_space<vmem>> -> memref<1x64x256xf32, #tpu.memory_space<vmem>>
    %dma_wait3A_85 = tpu.memref_squeeze %dma_wait3A_84 : memref<1x64x256xf32, #tpu.memory_space<vmem>> -> memref<64x256xf32, #tpu.memory_space<vmem>>
    tpu.wait_dma2 semaphore(%dma_wait3A_79 : memref<!tpu.dma_semaphore, #tpu.memory_space<semaphore_mem>>) src(%dma_wait3A_85 : memref<64x256xf32, #tpu.memory_space<vmem>>) dst(%dma_wait3A_81 : memref<64x256xf32, #tpu.memory_space<hbm>>)
    %add3A_86 = arith.constant 64 : i32
    %add3A_87 = arith.addi %add3A_68, %add3A_86 : i32
    %dma_wait3A_88 = arith.constant 1 : i32
    %dma_wait3A_89 = arith.constant 1 : i32
    %dma_wait3A_90 = arith.constant 0 : i32
    %dma_wait3A_91 = arith.constant 0 : i32
    %dma_wait3A_92 = tpu.memref_slice %arg7[%dma_wait3A_88, %dma_wait3A_90, %dma_wait3A_91] : memref<4x64x256xf32, #tpu.memory_space<vmem>> -> memref<1x64x256xf32, #tpu.memory_space<vmem>>
    %dma_wait3A_93 = tpu.memref_squeeze %dma_wait3A_92 : memref<1x64x256xf32, #tpu.memory_space<vmem>> -> memref<64x256xf32, #tpu.memory_space<vmem>>
    %dma_wait3A_94 = arith.constant 0 : i32
    %dma_wait3A_95 = tpu.memref_slice %arg4[%add3A_87, %dma_wait3A_94] : memref<262144x256xf32, #tpu.memory_space<hbm>> -> memref<64x256xf32, #tpu.memory_space<hbm>>
    %dma_wait3A_96 = tpu.memref_slice %arg11[%dma_wait3A_89] : memref<4x!tpu.dma_semaphore, #tpu.memory_space<semaphore_mem>> -> memref<1x!tpu.dma_semaphore, #tpu.memory_space<semaphore_mem>>
    %dma_wait3A_97 = tpu.memref_squeeze %dma_wait3A_96 : memref<1x!tpu.dma_semaphore, #tpu.memory_space<semaphore_mem>> -> memref<!tpu.dma_semaphore, #tpu.memory_space<semaphore_mem>>
    %dma_wait3A_98 = arith.constant 0 : i32
    %dma_wait3A_99 = tpu.memref_slice %arg4[%add3A_87, %dma_wait3A_98] : memref<262144x256xf32, #tpu.memory_space<hbm>> -> memref<64x256xf32, #tpu.memory_space<hbm>>
    %dma_wait3A_100 = arith.constant 0 : i32
    %dma_wait3A_101 = arith.constant 0 : i32
    %dma_wait3A_102 = tpu.memref_slice %arg7[%dma_wait3A_88, %dma_wait3A_100, %dma_wait3A_101] : memref<4x64x256xf32, #tpu.memory_space<vmem>> -> memref<1x64x256xf32, #tpu.memory_space<vmem>>
    %dma_wait3A_103 = tpu.memref_squeeze %dma_wait3A_102 : memref<1x64x256xf32, #tpu.memory_space<vmem>> -> memref<64x256xf32, #tpu.memory_space<vmem>>
    tpu.wait_dma2 semaphore(%dma_wait3A_97 : memref<!tpu.dma_semaphore, #tpu.memory_space<semaphore_mem>>) src(%dma_wait3A_103 : memref<64x256xf32, #tpu.memory_space<vmem>>) dst(%dma_wait3A_99 : memref<64x256xf32, #tpu.memory_space<hbm>>)
    %add3A_104 = arith.constant 128 : i32
    %add3A_105 = arith.addi %add3A_68, %add3A_104 : i32
    %dma_wait3A_106 = arith.constant 2 : i32
    %dma_wait3A_107 = arith.constant 2 : i32
    %dma_wait3A_108 = arith.constant 0 : i32
    %dma_wait3A_109 = arith.constant 0 : i32
    %dma_wait3A_110 = tpu.memref_slice %arg7[%dma_wait3A_106, %dma_wait3A_108, %dma_wait3A_109] : memref<4x64x256xf32, #tpu.memory_space<vmem>> -> memref<1x64x256xf32, #tpu.memory_space<vmem>>
    %dma_wait3A_111 = tpu.memref_squeeze %dma_wait3A_110 : memref<1x64x256xf32, #tpu.memory_space<vmem>> -> memref<64x256xf32, #tpu.memory_space<vmem>>
    %dma_wait3A_112 = arith.constant 0 : i32
    %dma_wait3A_113 = tpu.memref_slice %arg4[%add3A_105, %dma_wait3A_112] : memref<262144x256xf32, #tpu.memory_space<hbm>> -> memref<64x256xf32, #tpu.memory_space<hbm>>
    %dma_wait3A_114 = tpu.memref_slice %arg11[%dma_wait3A_107] : memref<4x!tpu.dma_semaphore, #tpu.memory_space<semaphore_mem>> -> memref<1x!tpu.dma_semaphore, #tpu.memory_space<semaphore_mem>>
    %dma_wait3A_115 = tpu.memref_squeeze %dma_wait3A_114 : memref<1x!tpu.dma_semaphore, #tpu.memory_space<semaphore_mem>> -> memref<!tpu.dma_semaphore, #tpu.memory_space<semaphore_mem>>
    %dma_wait3A_116 = arith.constant 0 : i32
    %dma_wait3A_117 = tpu.memref_slice %arg4[%add3A_105, %dma_wait3A_116] : memref<262144x256xf32, #tpu.memory_space<hbm>> -> memref<64x256xf32, #tpu.memory_space<hbm>>
    %dma_wait3A_118 = arith.constant 0 : i32
    %dma_wait3A_119 = arith.constant 0 : i32
    %dma_wait3A_120 = tpu.memref_slice %arg7[%dma_wait3A_106, %dma_wait3A_118, %dma_wait3A_119] : memref<4x64x256xf32, #tpu.memory_space<vmem>> -> memref<1x64x256xf32, #tpu.memory_space<vmem>>
    %dma_wait3A_121 = tpu.memref_squeeze %dma_wait3A_120 : memref<1x64x256xf32, #tpu.memory_space<vmem>> -> memref<64x256xf32, #tpu.memory_space<vmem>>
    tpu.wait_dma2 semaphore(%dma_wait3A_115 : memref<!tpu.dma_semaphore, #tpu.memory_space<semaphore_mem>>) src(%dma_wait3A_121 : memref<64x256xf32, #tpu.memory_space<vmem>>) dst(%dma_wait3A_117 : memref<64x256xf32, #tpu.memory_space<hbm>>)
    %add3A_122 = arith.constant 192 : i32
    %add3A_123 = arith.addi %add3A_68, %add3A_122 : i32
    %dma_wait3A_124 = arith.constant 3 : i32
    %dma_wait3A_125 = arith.constant 3 : i32
    %dma_wait3A_126 = arith.constant 0 : i32
    %dma_wait3A_127 = arith.constant 0 : i32
    %dma_wait3A_128 = tpu.memref_slice %arg7[%dma_wait3A_124, %dma_wait3A_126, %dma_wait3A_127] : memref<4x64x256xf32, #tpu.memory_space<vmem>> -> memref<1x64x256xf32, #tpu.memory_space<vmem>>
    %dma_wait3A_129 = tpu.memref_squeeze %dma_wait3A_128 : memref<1x64x256xf32, #tpu.memory_space<vmem>> -> memref<64x256xf32, #tpu.memory_space<vmem>>
    %dma_wait3A_130 = arith.constant 0 : i32
    %dma_wait3A_131 = tpu.memref_slice %arg4[%add3A_123, %dma_wait3A_130] : memref<262144x256xf32, #tpu.memory_space<hbm>> -> memref<64x256xf32, #tpu.memory_space<hbm>>
    %dma_wait3A_132 = tpu.memref_slice %arg11[%dma_wait3A_125] : memref<4x!tpu.dma_semaphore, #tpu.memory_space<semaphore_mem>> -> memref<1x!tpu.dma_semaphore, #tpu.memory_space<semaphore_mem>>
    %dma_wait3A_133 = tpu.memref_squeeze %dma_wait3A_132 : memref<1x!tpu.dma_semaphore, #tpu.memory_space<semaphore_mem>> -> memref<!tpu.dma_semaphore, #tpu.memory_space<semaphore_mem>>
    %dma_wait3A_134 = arith.constant 0 : i32
    %dma_wait3A_135 = tpu.memref_slice %arg4[%add3A_123, %dma_wait3A_134] : memref<262144x256xf32, #tpu.memory_space<hbm>> -> memref<64x256xf32, #tpu.memory_space<hbm>>
    %dma_wait3A_136 = arith.constant 0 : i32
    %dma_wait3A_137 = arith.constant 0 : i32
    %dma_wait3A_138 = tpu.memref_slice %arg7[%dma_wait3A_124, %dma_wait3A_136, %dma_wait3A_137] : memref<4x64x256xf32, #tpu.memory_space<vmem>> -> memref<1x64x256xf32, #tpu.memory_space<vmem>>
    %dma_wait3A_139 = tpu.memref_squeeze %dma_wait3A_138 : memref<1x64x256xf32, #tpu.memory_space<vmem>> -> memref<64x256xf32, #tpu.memory_space<vmem>>
    tpu.wait_dma2 semaphore(%dma_wait3A_133 : memref<!tpu.dma_semaphore, #tpu.memory_space<semaphore_mem>>) src(%dma_wait3A_139 : memref<64x256xf32, #tpu.memory_space<vmem>>) dst(%dma_wait3A_135 : memref<64x256xf32, #tpu.memory_space<hbm>>)
    return
  }
}

</mosaic_0001>

<sc_bundles>
// kernel: kernel.3.cloned.1.call-start
scs
__scs_entry_jumppad:
0x0: {  	(pc) =	sbr.rel $0x88, $3  }
0x1: {  	(tag) =	ssettag $0x0;
	lr =	simm.s32 $0x1  }
0x2: {  	[smem:$0x3F9F] =	sst lr;
	_ =	strace $0xD0000000  }
0x3: {  	_ = 	snop  }
0x4: {  	_ = 	snop  }
0x5: {  	_ = 	snop  }
0x6: {  	_ = 	snop  }
0x7: {  	_ = 	snop  }
__scs_overlays_trampoline_lowered:
0x8: {  	[smem:$0x3FAE] =	sst s0  }
0x9: {  	[smem:$0x3FAF] =	sst s1  }
0xa: {  	[smem:$0x3FB0] =	sst s2  }
0xb: {  	[smem:$0x3FB1] =	sst s3  }
0xc: {  	[smem:$0x3FB2] =	sst s4  }
0xd: {  	[smem:$0x3FB3] =	sst s5  }
0xe: {  	[smem:$0x3FB4] =	sst s6  }
0xf: {  	[smem:$0x3FB5] =	sst s7  }
0x10: {  	[smem:$0x3FB6] =	sst s8  }
0x11: {  	[smem:$0x3FB7] =	sst s9;
	s0 =	simm.s32 @!p0 $0x0  }
0x12: {  	s1 =	sld [smem:$0x3F9D];
	s0 =	simm.s32 @p0 $0x1  }
0x13: {  	[smem:$0x3FB8] =	sst s0;
	s0 =	simm.s32 @!p1 $0x0  }
0x14: {  	s2 =	sld [smem:$0x3F9C];
	s0 =	simm.s32 @p1 $0x1  }
0x15: {  	[smem:$0x3FB9] =	sst s0;
	s0 =	simm.s32 @!p2 $0x0  }
0x16: {  	s3 =	sld [smem:$0x3FDB];
	s0 =	simm.s32 @p2 $0x1  }
0x17: {  	s4 =	simm.s32 $0x1BF5;
	[smem:$0x3FBB] =	sst s0  }
0x18: {  	s0 =	sld [smem:$0x3F9E];
	_ =	swait.ge [sflag:s4], $0x0  }
0x19: {  	s7 =	sld [smem:$0x3F9F]  }
0x1a: {  	s8 =	sadd.s32 $0xFFFFE003, lr  }
0x1b: {  	s9 =	sadd.s32 $0xFFFFFEF7, lr;
	s5 =	simm.s32 $0xFFFFFFFF;
	p2 =	slt.u32 s8, $0xFFFFF086  }
0x1c: {  	p1 =	slt.u32 s9, $0xF7A;
	s5 =	simm.s32 @!p2 $0x0  }
0x1d: {  	s5 =	simm.s32 @p1 $0x1;
	p0 =	seq.s32 s7, s2  }
0x1e: {  	s7 =	smul.u32 @!p0 $0xF7A, s2;
	p2 =	seq.s32 @!p0 s5, $0x0  }
0x1f: {  	s9 =	smul.u32 $0xF7A, s1;
	s8 =	simm.s32 @!p0 $0x1BF5;
	p2 =	por !p2, p0  }
0x20: {  	[sflag:s8] =	ssyncset.s32 @!p0 $0xFFFFF086;
	s6 =	sadd.s32 @!p0 s3, s7;
	s7 =	simm.s32 @!p0 $0x108  }
0x21: {  	s3 =	sadd.s32 s3, s9;
	s6 =	sadd.s32 @!p0 $0x88, s6;
	s7 =	simm.s32 @p2 $0x1082  }
0x22: {  	[simem:s7], [sflag:s8] =	dma.local @!p0 [hbm:s6], $0xF7A  }
0x23: {  	s9 =	sor.u32 $0xD0000000, s2;
	s6 =	simm.s32 $0x108;
	_ =	swait.ge @!p0 [sflag:s8], $0x0  }
0x24: {  	s3 =	sadd.s32 $0x88, s3;
	s6 =	simm.s32 @!p1 $0x1082;
	[sflag:s4] =	ssyncset.s32 $0xFFFFF086  }
0x25: {  	[simem:s6], [sflag:s4] =	dma.local [hbm:s3], $0xF7A  }
0x26: {  	[smem:$0x3F9F] =	sst s1;
	(tag) =	ssettag s2;
	_ =	strace s9  }
0x27: {  	s1 =	sld [smem:$0x3FAF]  }
0x28: {  	s2 =	sld [smem:$0x3FB0]  }
0x29: {  	s4 =	sld [smem:$0x3FB2]  }
0x2a: {  	p0 =	seq.s32 s5, $0x0;
	s5 =	sld [smem:$0x3FB3]  }
0x2b: {  	s6 =	sld [smem:$0x3FB4]  }
0x2c: {  	s7 =	sld [smem:$0x3FB5]  }
0x2d: {  	s3 =	simm.s32 $0x108;
	s8 =	sld [smem:$0x3FB6]  }
0x2e: {  	s3 =	simm.s32 @!p0 $0x1082;
	s9 =	sld [smem:$0x3FB7]  }
0x2f: {  	lr =	sadd.s32 s0, s3;
	s0 =	sld [smem:$0x3FAE]  }
0x30: {  	s3 =	sld [smem:$0x3FB1]  }
0x31: {  	[smem:$0x3FBA] =	sst s10  }
0x32: {  	s10 =	sld [smem:$0x3FB8];
	_ =	sdelay $0x3  }
0x33: {  	p0 =	seq.s32 s10, $0x1;
	s10 =	sld [smem:$0x3FBA];
	_ =	sdelay $0x3  }
0x34: {  	[smem:$0x3FBA] =	sst s10  }
0x35: {  	s10 =	sld [smem:$0x3FB9];
	_ =	sdelay $0x3  }
0x36: {  	p1 =	seq.s32 s10, $0x1;
	s10 =	sld [smem:$0x3FBA];
	_ =	sdelay $0x3  }
0x37: {  	[smem:$0x3FBA] =	sst s10  }
0x38: {  	s10 =	sld [smem:$0x3FBB]  }
0x39: {  	_ = 	snop;
	(pc) =	sbr.ind lr, $3  }
0x3a: {  	_ = 	snop  }
0x3b: {  	_ = 	snop  }
0x3c: {  	p2 =	seq.s32 s10, $0x1;
	s10 =	sld [smem:$0x3FBA]  }
0x3d: {  	_ =	shalt  }
0x3e: {  	_ =	shalt  }
0x3f: {  	_ =	shalt  }
0x40: {  	_ =	shalt  }
0x41: {  	_ =	shalt  }
0x42: {  	_ =	shalt  }
0x43: {  	_ =	shalt  }
0x44: {  	_ =	shalt  }
0x45: {  	_ =	shalt  }
0x46: {  	_ =	shalt  }
0x47: {  	_ =	shalt  }
0x48: {  	_ =	shalt  }
0x49: {  	_ =	shalt  }
0x4a: {  	_ =	shalt  }
0x4b: {  	_ =	shalt  }
0x4c: {  	_ =	shalt  }
0x4d: {  	_ =	shalt  }
0x4e: {  	_ =	shalt  }
0x4f: {  	_ =	shalt  }
0x50: {  	_ =	shalt  }
0x51: {  	_ =	shalt  }
0x52: {  	_ =	shalt  }
0x53: {  	_ =	shalt  }
0x54: {  	_ =	shalt  }
0x55: {  	_ =	shalt  }
0x56: {  	_ =	shalt  }
0x57: {  	_ =	shalt  }
0x58: {  	_ =	shalt  }
0x59: {  	_ =	shalt  }
0x5a: {  	_ =	shalt  }
0x5b: {  	_ =	shalt  }
0x5c: {  	_ =	shalt  }
0x5d: {  	_ =	shalt  }
0x5e: {  	_ =	shalt  }
0x5f: {  	_ =	shalt  }
0x60: {  	_ =	shalt  }
0x61: {  	_ =	shalt  }
0x62: {  	_ =	shalt  }
0x63: {  	_ =	shalt  }
0x64: {  	_ =	shalt  }
0x65: {  	_ =	shalt  }
0x66: {  	_ =	shalt  }
0x67: {  	_ =	shalt  }
0x68: {  	_ =	shalt  }
0x69: {  	_ =	shalt  }
0x6a: {  	_ =	shalt  }
0x6b: {  	_ =	shalt  }
0x6c: {  	_ =	shalt  }
0x6d: {  	_ =	shalt  }
0x6e: {  	_ =	shalt  }
0x6f: {  	_ =	shalt  }
0x70: {  	_ =	shalt  }
0x71: {  	_ =	shalt  }
0x72: {  	_ =	shalt  }
0x73: {  	_ =	shalt  }
0x74: {  	_ =	shalt  }
0x75: {  	_ =	shalt  }
0x76: {  	_ =	shalt  }
0x77: {  	_ =	shalt  }
0x78: {  	_ =	shalt  }
0x79: {  	_ =	shalt  }
0x7a: {  	_ =	shalt  }
0x7b: {  	_ =	shalt  }
0x7c: {  	_ =	shalt  }
0x7d: {  	_ =	shalt  }
0x7e: {  	_ =	shalt  }
0x7f: {  	_ =	shalt  }
0x80: {  	_ =	shalt  }
0x81: {  	_ =	shalt  }
0x82: {  	_ =	shalt  }
0x83: {  	_ =	shalt  }
0x84: {  	_ =	shalt  }
0x85: {  	_ =	shalt  }
0x86: {  	_ =	shalt  }
0x87: {  	_ =	shalt  }
.Lfunc_end0:
.L_simem_size_0:
called_computation.1_lowered:
.L_overlay_start_0:
0x88: {  	s2 =	sld [smem:$0x3FD9]  }
0x89: {  	s3 =	sld [smem:$0x3FFE];
	_ =	sdelay $0x1  }
0x8a: {  	s1 =	srdreg.scid  }
0x8b: {  	s0 =	sand.u32 $0x1, s1  }
0x8c: {  	s17 =	sshll.u32 s0, $0xA;
	s2 =	sadd.s32 s3, s2  }
0x8d: {  	s2 =	sadd.s32 s2, s17  }
0x8e: {  	[smem:$0x3FC6] =	sst s2  }
0x8f: {  	_ = 	snop  }
0x90: {  	s2 =	sld [smem:$0x3FD0];
	(tm) =	ssettm $0x1  }
0x91: {  	s18 =	sld [smem:$0x3FFB];
	_ =	sdelay $0x3  }
0x92: {  	_ =	strace s18  }
0x93: {  	s3 =	sld [smem:$0x3FFC];
	_ =	sdelay $0x3  }
0x94: {  	_ =	strace s3  }
0x95: {  	s3 =	sld [smem:$0x3FFD];
	_ =	sdelay $0x3  }
0x96: {  	_ =	strace s3  }
0x97: {  	_ =	strace $0x8FFFFFFF  }
0x98: {  	s19 =	sld [smem:$0x3FDB];
	_ =	sdelay $0x1  }
0x99: {  	s4 =	simm.s32 $_scs_section_size  }
0x9a: {  	s5 =	simm.s32 $_size__tile_overlayer_lowered;
	s6 =	simm.s32 $_tile_overlayer_lowered  }
0x9b: {  	s22 =	simm.s32 $0x1BFF;
	s21 =	sshll.u32 s6, $0x1;
	s3 =	sadd.s32 s4, s19  }
0x9c: {  	s7 =	simm.s32 $0x0;
	s20 =	sshll.u32 s5, $0x1;
	s5 =	sadd.s32 s21, s3  }
0x9d: {  	[timem:s7], [sflag:s22] =	dma.local [hbm:s5], s20  }
0x9e: {  	_ =	swait.ge [sflag:s22], s20  }
0x9f: {  	s4 =	ssub.s32 $0x0, s20;
	[sflag:s22] =	ssyncset.done $0x0  }
0xa0: {  	[sflag:s22] =	ssyncadd.s32 s4;
	_ =	sdelay $0x1  }
0xa1: {  	s23 =	simm.s32 $0x1B8B  }
0xa2: {  	_ =	swait.ge [sflag:s23], $0x1  }
0xa3: {  	[sflag:s23] =	ssyncset.done $0x0  }
0xa4: {  	s25 =	simm.s32 $0x1B8E;
	s24 =	sld [smem:$0x3FFE];
	[sflag:s23] =	ssyncadd.s32 $0xFFFFFFFF  }
0xa5: {  	s26 =	simm.s32 $execute0_lowered;
	[smem:$0x3FD2] =	sst s25  }
0xa6: {  	s5 =	sshll.u32 s26, $0x1;
	_ =	strace $0x80000046;
	[dreg:$0x1] =	wrdreg $0xFFFFFFFF  }
0xa7: {  	s28 =	simm.s32 $_size_execute0_lowered;
	s3 =	sadd.s32 s3, s5;
	[dreg:$0x0] =	wrdreg $0x0  }
0xa8: {  	s5 =	sshll.u32 s28, $0x1;
	[dreg:$0x2] =	wrdreg s3  }
0xa9: {  	[dreg:$0x3] =	wrdreg s5  }
0xaa: {  	[dreg:$0x4] =	wrdreg $0xC0  }
0xab: {  	_ =	task [dreg:s7], $0x5FFFF  }
0xac: {  	[dreg:$0x1] =	wrdreg $0xFFFFFFFF  }
0xad: {  	[dreg:$0x0] =	wrdreg $0x60  }
0xae: {  	[dreg:$0x2] =	wrdreg s24  }
0xaf: {  	[dreg:$0x3] =	wrdreg s2  }
0xb0: {  	[dreg:$0x4] =	wrdreg $0x105000  }
0xb1: {  	[dreg:$0x5] =	wrdreg $0x9  }
0xb2: {  	_ =	task.clear_ibuf [dreg:s7], $0x6FFFF;
	_ =	strace $0x90000046  }
0xb3: {  	s29 =	simm.s32 $0x9;
	_ =	strace $0x80000048  }
0xb4: {  	_ =	swait.ge [sflag:s29], $0x1  }
0xb5: {  	[sflag:s29] =	ssyncadd.s32 $0xFFFFFFFF  }
0xb6: {  	_ =	strace $0x90000048  }
0xb7: {  	_ =	sfence  }
0xb8: {  	s30 =	sld [smem:$0x0];
	_ =	sdelay $0x2  }
0xb9: {  	s31 =	sshll.u32 s1, $0xD;
	s1 =	sshrl.u32 s1, $0x2  }
0xba: {  	s3 =	sand.u32 $0x4000, s31;
	s1 =	sadd.s32 s1, s30  }
0xbb: {  	s0 =	sor.u32 s3, s0;
	s1 =	sshll.u32 s1, $0x11  }
0xbc: {  	s0 =	sor.u32 s1, s0  }
0xbd: {  	s0 =	sadd.s32 $0x8F2B, s0  }
0xbe: {  	[sflag:s0] =	ssyncadd.remote.s32 $0x1  }
0xbf: {  	_ =	sfence.sel $0xFFFF  }
0xc0: {  	[dreg:$0x0] =	wrdreg $0xFFFFFFFF;
	(pc) =	sbr.abs _section_cstart, $3  }
0xc1: {  	[dreg:$0x1] =	wrdreg $0xFFFFFFFF  }
0xc2: {  	_ =	task.clear_ibuf [dreg:s7], $0x2FFFF;
	_ =	strace $0x9FFFFFFF  }
0xc3: {  	(tm) =	ssettm $0x7FFFFFFF  }
tec
execute0_lowered:
.L_overlay_start_1:
0x0: {  	(tag) =	ssettag $0x1  }
0x1: {  	s0 =	rddreg [dreg:$0x0]  }
0x2: {  	s3 =	rddreg [dreg:$0x1]  }
0x3: {  	s1 =	rddreg [dreg:$0x2];
	s2 =	simm.s32 $0x0  }
0x4: {  	s4 =	srdreg.scid;
	s6 =	stileid.u32;
	s28 =	simm.s32 $0x8500  }
0x5: {  	s29 =	simm.s32 $0x4;
	s30 =	simm.s32 $0x4C0;
	s31 =	simm.s32 $0xC500  }
0x6: {  	[smem:$0x7FF] =	sst s2;
	s4 =	sand.u32 $0x1, s4;
	s5 =	sadd.s32 $0x5800, s0  }
0x7: {  	s9 =	sshll.u32 s6, $0xD;
	s0 =	sadd.s32 $0x800, s0;
	s14 =	sshll.u32 s6, $0x10  }
0x8: {  	s24 =	sshll.u32 s6, $0x13;
	p0 =	sne.s32 s6, $0x0;
	_ =	strace $0x80000047  }
0x9: {  	s7 =	ssub.s32 $0x2, s4;
	s10 =	sshll.u32 s4, $0xC;
	[dreg:$0x4] =	wrdreg s0  }
0xa: {  	s15 =	sshll.u32 s4, $0xF;
	s8 =	sshrl.u32 s7, $0x1;
	s13 =	sor.u32 s10, s9  }
0xb: {  	s25 =	sshll.u32 s4, $0x12;
	s12 =	ssub.s32 s7, s8;
	s9 =	sadd.s32 s5, s13  }
0xc: {  	s7 =	sor.u32 s15, s14;
	s15 =	simm.s32 $0x100;
	s13 =	simm.s32 $0x0  }
0xd: {  	s16 =	sadd.s32 $0x20, s9;
	s17 =	sadd.s32 $0x40, s9;
	[dreg:$0x5] =	wrdreg s9  }
0xe: {  	s18 =	sadd.s32 $0x60, s9;
	s0 =	smax.u32 s12, $0x1;
	[dreg:$0x6] =	wrdreg s16  }
0xf: {  	s19 =	sor.u32 $0x700, s7;
	s20 =	sor.u32 $0x600, s7;
	[dreg:$0x7] =	wrdreg s17  }
0x10: {  	s21 =	sor.u32 $0x500, s7;
	s7 =	sor.u32 $0x400, s7;
	[dreg:$0x8] =	wrdreg s18  }
0x11: {  	[dreg:$0x9] =	wrdreg s0;
	s0 =	sshrl.u32 s19, $0x3;
	s22 =	sshrl.u32 s20, $0x3  }
0x12: {  	s23 =	sshrl.u32 s21, $0x3;
	s26 =	sshrl.u32 s7, $0x3;
	s16 =	simm.s32 $0x200  }
0x13: {  	v0 =	vlaneseq.u32;
	s17 =	simm.s32 $0x300;
	s18 =	simm.s32 $0x1;
	s19 =	simm.s32 $0x40  }
0x14: {  	v0 =	vmul.u32 $0x4, v0;
	s20 =	simm.s32 $0x400;
	s21 =	simm.s32 $0x500;
	s9 =	sadd.s32 s0, s5  }
0x15: {  	s10 =	sadd.s32 s22, s5;
	s11 =	sadd.s32 s23, s5;
	s0 =	sadd.s32 s24, s3  }
.Ltmp0:
0x16: {  	v1 =	vor.u32 $0x1, v0;
	v2 =	vor.u32 $0x2, v0;
	v3 =	vor.u32 $0x3, v0;
	s12 =	sadd.s32 s26, s5;
	s22 =	simm.s32 $0x2;
	(pc) =	sbr.rel .LBB2_1-.Ltmp0, $4  }
0x17: {  	v4 =	vor.u32 $0x40, v0;
	v5 =	vor.u32 $0x41, v0;
	v6 =	vor.u32 $0x42, v0;
	s23 =	simm.s32 $0x440;
	s24 =	simm.s32 $0x4500;
	s0 =	sadd.s32 s25, s0  }
0x18: {  	v7 =	vor.u32 $0x43, v0;
	v8 =	vor.u32 $0x80, v0;
	v9 =	vor.u32 $0x81, v0;
	s26 =	simm.s32 $0x480;
	s3 =	simm.s32 $0x7;
	s0 =	sadd.s32 $0x1800, s0  }
0x19: {  	v10 =	vor.u32 $0x82, v0;
	v11 =	vor.u32 $0x83, v0;
	v12 =	vor.u32 $0xC0, v0;
	s5 =	simm.s32 $0x8;
	[dreg:$0xa] =	wrdreg s0;
	s0 =	sshrl.u32 @!p0 s1, $0x3  }
0x1a: {  	v13 =	vor.u32 $0xC1, v0;
	v14 =	vor.u32 $0xC2, v0;
	v15 =	vor.u32 $0xC3, v0;
	s25 =	simm.s32 $0x3;
	[dreg:$0xb] =	wrdreg s0;
	s0 =	simm.s32 $0x5  }
.LBB2_3:
0x1b: {  	_ =	swait.ge [sflag:s5], $0x4000  }
0x1c: {  	[sflag:s5] =	ssyncset.done $0x0  }
0x1d: {  	[sflag:s5] =	ssyncadd.s32 $0xFFFFC000  }
0x1e: {  	[hbm4b:s4+s2] =	stream.linear.scatter [tilespmem:s31], [sflag:$0xC], $0x4000, $0x38;
	[tilespmem:$0x12C80] =	vst v63  }
.LBB2_5:
0x1f: {  	s4 =	simm.s32 $0x9  }
0x20: {  	_ =	swait.ge [sflag:s4], $0x4000  }
0x21: {  	[sflag:s4] =	ssyncset.done $0x0  }
0x22: {  	s7 =	simm.s32 $0xA;
	[sflag:s4] =	ssyncadd.s32 $0xFFFFC000  }
0x23: {  	_ =	swait.ge [sflag:s7], $0x4000  }
0x24: {  	[sflag:s7] =	ssyncset.done $0x0  }
0x25: {  	s8 =	simm.s32 $0xB;
	[sflag:s7] =	ssyncadd.s32 $0xFFFFC000  }
0x26: {  	_ =	swait.ge [sflag:s8], $0x4000  }
0x27: {  	[sflag:s8] =	ssyncset.done $0x0  }
0x28: {  	s6 =	simm.s32 $0xC;
	[sflag:s8] =	ssyncadd.s32 $0xFFFFC000  }
0x29: {  	_ =	swait.ge [sflag:s6], $0x4000  }
0x2a: {  	s13 =	sadd.s32 $0x1, s13;
	s14 =	rddreg [dreg:$0x9]  }
0x2b: {  	p1 =	sne.s32 s13, s14  }
.Ltmp1:
0x2c: {  	_ = 	snop;
	(pc) =	sbr.rel @!p1 .LBB2_6-.Ltmp1, $3  }
0x2d: {  	_ =	sdelay $0x1  }
0x2e: {  	[sflag:s6] =	ssyncset.done $0x0  }
0x2f: {  	[sflag:s6] =	ssyncadd.s32 $0xFFFFC000  }
.LBB2_1:
0x30: {  	s6 =	rddreg [dreg:$0x4]  }
0x31: {  	s4 =	simm.s32 @!p0 $0x1C0D;
	s7 =	rddreg [dreg:$0xb]  }
0x32: {  	[spmem:s7], [sflag:s4] =	dma.local @!p0 [hbm:s6], $0x4F00  }
0x33: {  	s4 =	simm.s32 @!p0 $0xD  }
0x34: {  	_ =	swait.ge @!p0 [sflag:s4], $0x4F00  }
0x35: {  	[sflag:s4] =	ssyncset.done @!p0 $0x0  }
0x36: {  	[sflag:s4] =	ssyncadd.s32 @!p0 $0xFFFFB100  }
0x37: {  	[bflag:$0x0] =	sbarrier.arrive $0xFFFF  }
0x38: {  	s6 =	rddreg [dreg:$0x5]  }
0x39: {  	s7 =	rddreg [dreg:$0x6]  }
0x3a: {  	[tilespmem:s2], [sflag:$0x1] =	stream.linear.gather [hbm4b:s6+s2], $0x100, $0x38;
	[tilespmem:$0x12C80] =	vst v63  }
0x3b: {  	s8 =	rddreg [dreg:$0x7]  }
0x3c: {  	[tilespmem:s15], [sflag:$0x2] =	stream.linear.gather [hbm4b:s7+s2], $0x100, $0x38;
	[tilespmem:$0x12C80] =	vst v63  }
0x3d: {  	s14 =	rddreg [dreg:$0x8]  }
0x3e: {  	[tilespmem:s16], [sflag:$0x3] =	stream.linear.gather [hbm4b:s8+s2], $0x100, $0x38;
	[tilespmem:$0x12C80] =	vst v63  }
0x3f: {  	s4 =	rddreg [dreg:$0xa];
	s6 =	simm.s32 $0x0  }
0x40: {  	[tilespmem:s17], [sflag:$0x4] =	stream.linear.gather [hbm4b:s14+s2], $0x100, $0x38;
	[tilespmem:$0x12C80] =	vst v63  }
.LBB2_2:
0x41: {  	p1 =	seq.s32 s6, $0x0  }
0x42: {  	s7 =	simm.s32 @!p1 $0x9  }
0x43: {  	_ =	swait.ge @!p1 [sflag:s7], $0x4000  }
0x44: {  	[sflag:s7] =	ssyncset.done @!p1 $0x0  }
0x45: {  	[sflag:s7] =	ssyncadd.s32 @!p1 $0xFFFFC000  }
0x46: {  	_ =	swait.ge [sflag:s18], $0x100  }
0x47: {  	[sflag:s18] =	ssyncset.done $0x0  }
0x48: {  	[sflag:s18] =	ssyncadd.s32 $0xFFFFFF00  }
0x49: {  	v16 =	vld.idx.msk [tilespmem:v0+s2+$0x0], $0xffff;
	_ =	sdelay $0x1  }
0x4a: {  	v17 =	vld.idx.msk [tilespmem:v1+s2+$0x0], $0xffff;
	_ =	sdelay $0x2  }
0x4b: {  	v18 =	vld.idx.msk [tilespmem:v2+s2+$0x0], $0xffff;
	v16 =	vmul.u32 $0x5, v16;
	_ =	sdelay $0x1  }
0x4c: {  	v16 =	vadd.s32 v17, v16  }
0x4d: {  	v17 =	vld.idx.msk [tilespmem:v3+s2+$0x0], $0xffff;
	v16 =	vmul.u32 $0x5, v16;
	_ =	sdelay $0x1  }
0x4e: {  	v16 =	vadd.s32 v18, v16  }
0x4f: {  	v16 =	vmul.u32 $0x5, v16;
	_ =	sdelay $0x1  }
0x50: {  	v16 =	vadd.s32 v17, v16  }
0x51: {  	[tilespmem:$0x400] =	vst v16  }
0x52: {  	v16 =	vld.idx.msk [tilespmem:v4+s2+$0x0], $0xffff;
	_ =	sdelay $0x1  }
0x53: {  	v17 =	vld.idx.msk [tilespmem:v5+s2+$0x0], $0xffff;
	_ =	sdelay $0x2  }
0x54: {  	v49 =	vld.idx.msk [tilespmem:v6+s2+$0x0], $0xffff;
	v16 =	vmul.u32 $0x5, v16;
	_ =	sdelay $0x1  }
0x55: {  	v16 =	vadd.s32 v17, v16  }
0x56: {  	v17 =	vld.idx.msk [tilespmem:v7+s2+$0x0], $0xffff;
	v16 =	vmul.u32 $0x5, v16;
	_ =	sdelay $0x1  }
0x57: {  	v16 =	vadd.s32 v49, v16  }
0x58: {  	v16 =	vmul.u32 $0x5, v16;
	_ =	sdelay $0x1  }
0x59: {  	v16 =	vadd.s32 v17, v16  }
0x5a: {  	[tilespmem:$0x410] =	vst v16  }
0x5b: {  	v16 =	vld.idx.msk [tilespmem:v8+s2+$0x0], $0xffff;
	_ =	sdelay $0x1  }
0x5c: {  	v17 =	vld.idx.msk [tilespmem:v9+s2+$0x0], $0xffff;
	_ =	sdelay $0x2  }
0x5d: {  	v50 =	vld.idx.msk [tilespmem:v10+s2+$0x0], $0xffff;
	v16 =	vmul.u32 $0x5, v16;
	_ =	sdelay $0x1  }
0x5e: {  	v16 =	vadd.s32 v17, v16  }
0x5f: {  	v17 =	vld.idx.msk [tilespmem:v11+s2+$0x0], $0xffff;
	v16 =	vmul.u32 $0x5, v16;
	_ =	sdelay $0x1  }
0x60: {  	v16 =	vadd.s32 v50, v16  }
0x61: {  	v16 =	vmul.u32 $0x5, v16;
	_ =	sdelay $0x1  }
0x62: {  	v16 =	vadd.s32 v17, v16  }
0x63: {  	[tilespmem:$0x420] =	vst v16  }
0x64: {  	v16 =	vld.idx.msk [tilespmem:v12+s2+$0x0], $0xffff;
	_ =	sdelay $0x1  }
0x65: {  	v17 =	vld.idx.msk [tilespmem:v13+s2+$0x0], $0xffff;
	_ =	sdelay $0x2  }
0x66: {  	v51 =	vld.idx.msk [tilespmem:v14+s2+$0x0], $0xffff;
	v16 =	vmul.u32 $0x5, v16;
	_ =	sdelay $0x1  }
0x67: {  	v16 =	vadd.s32 v17, v16  }
0x68: {  	v17 =	vld.idx.msk [tilespmem:v15+s2+$0x0], $0xffff;
	v16 =	vmul.u32 $0x5, v16;
	_ =	sdelay $0x1  }
0x69: {  	v16 =	vadd.s32 v51, v16  }
0x6a: {  	v16 =	vmul.u32 $0x5, v16;
	_ =	sdelay $0x1  }
0x6b: {  	v16 =	vadd.s32 v17, v16  }
0x6c: {  	s7 =	simm.s32 @!p1 $0xA;
	[tilespmem:$0x430] =	vst v16  }
0x6d: {  	[tilespmem:s21], [sflag:$0x5] =	stream.indirect.gather [spmem:s1], $0x100, s20, s19, $0xb8;
	[tilespmem:$0x12C80] =	vst v63  }
0x6e: {  	_ =	swait.ge @!p1 [sflag:s7], $0x4000  }
0x6f: {  	[sflag:s7] =	ssyncset.done @!p1 $0x0  }
0x70: {  	[sflag:s7] =	ssyncadd.s32 @!p1 $0xFFFFC000  }
0x71: {  	_ =	swait.ge [sflag:s22], $0x100  }
0x72: {  	[sflag:s22] =	ssyncset.done $0x0  }
0x73: {  	[sflag:s22] =	ssyncadd.s32 $0xFFFFFF00  }
0x74: {  	v16 =	vld.idx.msk [tilespmem:v0+s15+$0x0], $0xffff;
	_ =	sdelay $0x1  }
0x75: {  	v17 =	vld.idx.msk [tilespmem:v1+s15+$0x0], $0xffff;
	_ =	sdelay $0x2  }
0x76: {  	v52 =	vld.idx.msk [tilespmem:v2+s15+$0x0], $0xffff;
	v16 =	vmul.u32 $0x5, v16;
	_ =	sdelay $0x1  }
0x77: {  	v16 =	vadd.s32 v17, v16  }
0x78: {  	v17 =	vld.idx.msk [tilespmem:v3+s15+$0x0], $0xffff;
	v16 =	vmul.u32 $0x5, v16;
	_ =	sdelay $0x1  }
0x79: {  	v16 =	vadd.s32 v52, v16  }
0x7a: {  	v16 =	vmul.u32 $0x5, v16;
	_ =	sdelay $0x1  }
0x7b: {  	v16 =	vadd.s32 v17, v16  }
0x7c: {  	[tilespmem:$0x440] =	vst v16  }
0x7d: {  	v16 =	vld.idx.msk [tilespmem:v4+s15+$0x0], $0xffff;
	_ =	sdelay $0x1  }
0x7e: {  	v17 =	vld.idx.msk [tilespmem:v5+s15+$0x0], $0xffff;
	_ =	sdelay $0x2  }
0x7f: {  	v53 =	vld.idx.msk [tilespmem:v6+s15+$0x0], $0xffff;
	v16 =	vmul.u32 $0x5, v16;
	_ =	sdelay $0x1  }
0x80: {  	v16 =	vadd.s32 v17, v16  }
0x81: {  	v17 =	vld.idx.msk [tilespmem:v7+s15+$0x0], $0xffff;
	v16 =	vmul.u32 $0x5, v16;
	_ =	sdelay $0x1  }
0x82: {  	v16 =	vadd.s32 v53, v16  }
0x83: {  	v16 =	vmul.u32 $0x5, v16;
	_ =	sdelay $0x1  }
0x84: {  	v16 =	vadd.s32 v17, v16  }
0x85: {  	[tilespmem:$0x450] =	vst v16  }
0x86: {  	v16 =	vld.idx.msk [tilespmem:v8+s15+$0x0], $0xffff;
	_ =	sdelay $0x1  }
0x87: {  	v17 =	vld.idx.msk [tilespmem:v9+s15+$0x0], $0xffff;
	_ =	sdelay $0x2  }
0x88: {  	v54 =	vld.idx.msk [tilespmem:v10+s15+$0x0], $0xffff;
	v16 =	vmul.u32 $0x5, v16;
	_ =	sdelay $0x1  }
0x89: {  	v16 =	vadd.s32 v17, v16  }
0x8a: {  	v17 =	vld.idx.msk [tilespmem:v11+s15+$0x0], $0xffff;
	v16 =	vmul.u32 $0x5, v16;
	_ =	sdelay $0x1  }
0x8b: {  	v16 =	vadd.s32 v54, v16  }
0x8c: {  	v16 =	vmul.u32 $0x5, v16;
	_ =	sdelay $0x1  }
0x8d: {  	v16 =	vadd.s32 v17, v16  }
0x8e: {  	[tilespmem:$0x460] =	vst v16  }
0x8f: {  	v16 =	vld.idx.msk [tilespmem:v12+s15+$0x0], $0xffff;
	_ =	sdelay $0x1  }
0x90: {  	v17 =	vld.idx.msk [tilespmem:v13+s15+$0x0], $0xffff;
	_ =	sdelay $0x2  }
0x91: {  	v55 =	vld.idx.msk [tilespmem:v14+s15+$0x0], $0xffff;
	v16 =	vmul.u32 $0x5, v16;
	_ =	sdelay $0x1  }
0x92: {  	v16 =	vadd.s32 v17, v16  }
0x93: {  	v17 =	vld.idx.msk [tilespmem:v15+s15+$0x0], $0xffff;
	v16 =	vmul.u32 $0x5, v16;
	_ =	sdelay $0x1  }
0x94: {  	v16 =	vadd.s32 v55, v16  }
0x95: {  	v16 =	vmul.u32 $0x5, v16;
	_ =	sdelay $0x1  }
0x96: {  	v16 =	vadd.s32 v17, v16  }
0x97: {  	s7 =	simm.s32 @!p1 $0xB;
	[tilespmem:$0x470] =	vst v16  }
0x98: {  	[tilespmem:s24], [sflag:$0x6] =	stream.indirect.gather [spmem:s1], $0x100, s23, s19, $0xb8;
	[tilespmem:$0x12C80] =	vst v63  }
0x99: {  	_ =	swait.ge @!p1 [sflag:s7], $0x4000  }
0x9a: {  	[sflag:s7] =	ssyncset.done @!p1 $0x0  }
0x9b: {  	[sflag:s7] =	ssyncadd.s32 @!p1 $0xFFFFC000  }
0x9c: {  	_ =	swait.ge [sflag:s25], $0x100  }
0x9d: {  	[sflag:s25] =	ssyncset.done $0x0  }
0x9e: {  	[sflag:s25] =	ssyncadd.s32 $0xFFFFFF00  }
0x9f: {  	v16 =	vld.idx.msk [tilespmem:v0+s16+$0x0], $0xffff;
	_ =	sdelay $0x1  }
0xa0: {  	v17 =	vld.idx.msk [tilespmem:v1+s16+$0x0], $0xffff;
	_ =	sdelay $0x2  }
0xa1: {  	v56 =	vld.idx.msk [tilespmem:v2+s16+$0x0], $0xffff;
	v16 =	vmul.u32 $0x5, v16;
	_ =	sdelay $0x1  }
0xa2: {  	v16 =	vadd.s32 v17, v16  }
0xa3: {  	v17 =	vld.idx.msk [tilespmem:v3+s16+$0x0], $0xffff;
	v16 =	vmul.u32 $0x5, v16;
	_ =	sdelay $0x1  }
0xa4: {  	v16 =	vadd.s32 v56, v16  }
0xa5: {  	v16 =	vmul.u32 $0x5, v16;
	_ =	sdelay $0x1  }
0xa6: {  	v16 =	vadd.s32 v17, v16  }
0xa7: {  	[tilespmem:$0x480] =	vst v16  }
0xa8: {  	v16 =	vld.idx.msk [tilespmem:v4+s16+$0x0], $0xffff;
	_ =	sdelay $0x1  }
0xa9: {  	v17 =	vld.idx.msk [tilespmem:v5+s16+$0x0], $0xffff;
	_ =	sdelay $0x2  }
0xaa: {  	v57 =	vld.idx.msk [tilespmem:v6+s16+$0x0], $0xffff;
	v16 =	vmul.u32 $0x5, v16;
	_ =	sdelay $0x1  }
0xab: {  	v16 =	vadd.s32 v17, v16  }
0xac: {  	v17 =	vld.idx.msk [tilespmem:v7+s16+$0x0], $0xffff;
	v16 =	vmul.u32 $0x5, v16;
	_ =	sdelay $0x1  }
0xad: {  	v16 =	vadd.s32 v57, v16  }
0xae: {  	v16 =	vmul.u32 $0x5, v16;
	_ =	sdelay $0x1  }
0xaf: {  	v16 =	vadd.s32 v17, v16  }
0xb0: {  	[tilespmem:$0x490] =	vst v16  }
0xb1: {  	v16 =	vld.idx.msk [tilespmem:v8+s16+$0x0], $0xffff;
	_ =	sdelay $0x1  }
0xb2: {  	v17 =	vld.idx.msk [tilespmem:v9+s16+$0x0], $0xffff;
	_ =	sdelay $0x2  }
0xb3: {  	v58 =	vld.idx.msk [tilespmem:v10+s16+$0x0], $0xffff;
	v16 =	vmul.u32 $0x5, v16;
	_ =	sdelay $0x1  }
0xb4: {  	v16 =	vadd.s32 v17, v16  }
0xb5: {  	v17 =	vld.idx.msk [tilespmem:v11+s16+$0x0], $0xffff;
	v16 =	vmul.u32 $0x5, v16;
	_ =	sdelay $0x1  }
0xb6: {  	v16 =	vadd.s32 v58, v16  }
0xb7: {  	v16 =	vmul.u32 $0x5, v16;
	_ =	sdelay $0x1  }
0xb8: {  	v16 =	vadd.s32 v17, v16  }
0xb9: {  	[tilespmem:$0x4A0] =	vst v16  }
0xba: {  	v16 =	vld.idx.msk [tilespmem:v12+s16+$0x0], $0xffff;
	_ =	sdelay $0x1  }
0xbb: {  	v17 =	vld.idx.msk [tilespmem:v13+s16+$0x0], $0xffff;
	_ =	sdelay $0x2  }
0xbc: {  	v59 =	vld.idx.msk [tilespmem:v14+s16+$0x0], $0xffff;
	v16 =	vmul.u32 $0x5, v16;
	_ =	sdelay $0x1  }
0xbd: {  	v16 =	vadd.s32 v17, v16  }
0xbe: {  	v17 =	vld.idx.msk [tilespmem:v15+s16+$0x0], $0xffff;
	v16 =	vmul.u32 $0x5, v16;
	_ =	sdelay $0x1  }
0xbf: {  	v16 =	vadd.s32 v59, v16  }
0xc0: {  	v16 =	vmul.u32 $0x5, v16;
	_ =	sdelay $0x1  }
0xc1: {  	v16 =	vadd.s32 v17, v16  }
0xc2: {  	s7 =	simm.s32 @!p1 $0xC;
	[tilespmem:$0x4B0] =	vst v16  }
0xc3: {  	[tilespmem:s28], [sflag:$0x7] =	stream.indirect.gather [spmem:s1], $0x100, s26, s19, $0xb8;
	[tilespmem:$0x12C80] =	vst v63  }
0xc4: {  	_ =	swait.ge @!p1 [sflag:s7], $0x4000  }
0xc5: {  	[sflag:s7] =	ssyncset.done @!p1 $0x0  }
0xc6: {  	[sflag:s7] =	ssyncadd.s32 @!p1 $0xFFFFC000  }
0xc7: {  	_ =	swait.ge [sflag:s29], $0x100  }
0xc8: {  	[sflag:s29] =	ssyncset.done $0x0  }
0xc9: {  	[sflag:s29] =	ssyncadd.s32 $0xFFFFFF00  }
0xca: {  	v16 =	vld.idx.msk [tilespmem:v0+s17+$0x0], $0xffff;
	_ =	sdelay $0x1  }
0xcb: {  	v17 =	vld.idx.msk [tilespmem:v1+s17+$0x0], $0xffff;
	_ =	sdelay $0x2  }
0xcc: {  	v60 =	vld.idx.msk [tilespmem:v2+s17+$0x0], $0xffff;
	v16 =	vmul.u32 $0x5, v16;
	_ =	sdelay $0x1  }
0xcd: {  	v16 =	vadd.s32 v17, v16  }
0xce: {  	v17 =	vld.idx.msk [tilespmem:v3+s17+$0x0], $0xffff;
	v16 =	vmul.u32 $0x5, v16;
	_ =	sdelay $0x1  }
0xcf: {  	v16 =	vadd.s32 v60, v16  }
0xd0: {  	v16 =	vmul.u32 $0x5, v16;
	_ =	sdelay $0x1  }
0xd1: {  	v16 =	vadd.s32 v17, v16  }
0xd2: {  	[tilespmem:$0x4C0] =	vst v16  }
0xd3: {  	v16 =	vld.idx.msk [tilespmem:v4+s17+$0x0], $0xffff;
	_ =	sdelay $0x1  }
0xd4: {  	v17 =	vld.idx.msk [tilespmem:v5+s17+$0x0], $0xffff;
	_ =	sdelay $0x2  }
0xd5: {  	v61 =	vld.idx.msk [tilespmem:v6+s17+$0x0], $0xffff;
	v16 =	vmul.u32 $0x5, v16;
	_ =	sdelay $0x1  }
0xd6: {  	v16 =	vadd.s32 v17, v16  }
0xd7: {  	v17 =	vld.idx.msk [tilespmem:v7+s17+$0x0], $0xffff;
	v16 =	vmul.u32 $0x5, v16;
	_ =	sdelay $0x1  }
0xd8: {  	v16 =	vadd.s32 v61, v16  }
0xd9: {  	v16 =	vmul.u32 $0x5, v16;
	_ =	sdelay $0x1  }
0xda: {  	v16 =	vadd.s32 v17, v16  }
0xdb: {  	[tilespmem:$0x4D0] =	vst v16  }
0xdc: {  	v16 =	vld.idx.msk [tilespmem:v8+s17+$0x0], $0xffff;
	_ =	sdelay $0x1  }
0xdd: {  	v17 =	vld.idx.msk [tilespmem:v9+s17+$0x0], $0xffff;
	_ =	sdelay $0x2  }
0xde: {  	v62 =	vld.idx.msk [tilespmem:v10+s17+$0x0], $0xffff;
	v16 =	vmul.u32 $0x5, v16;
	_ =	sdelay $0x1  }
0xdf: {  	v16 =	vadd.s32 v17, v16  }
0xe0: {  	v17 =	vld.idx.msk [tilespmem:v11+s17+$0x0], $0xffff;
	v16 =	vmul.u32 $0x5, v16;
	_ =	sdelay $0x1  }
0xe1: {  	v16 =	vadd.s32 v62, v16  }
0xe2: {  	v16 =	vmul.u32 $0x5, v16;
	_ =	sdelay $0x1  }
0xe3: {  	v16 =	vadd.s32 v17, v16  }
0xe4: {  	[tilespmem:$0x4E0] =	vst v16  }
0xe5: {  	v16 =	vld.idx.msk [tilespmem:v12+s17+$0x0], $0xffff;
	_ =	sdelay $0x1  }
0xe6: {  	v17 =	vld.idx.msk [tilespmem:v13+s17+$0x0], $0xffff;
	_ =	sdelay $0x2  }
0xe7: {  	v63 =	vld.idx.msk [tilespmem:v14+s17+$0x0], $0xffff;
	v16 =	vmul.u32 $0x5, v16;
	_ =	sdelay $0x1  }
0xe8: {  	v16 =	vadd.s32 v17, v16  }
0xe9: {  	v17 =	vld.idx.msk [tilespmem:v15+s17+$0x0], $0xffff;
	v16 =	vmul.u32 $0x5, v16;
	_ =	sdelay $0x1  }
0xea: {  	v16 =	vadd.s32 v63, v16  }
0xeb: {  	v16 =	vmul.u32 $0x5, v16;
	_ =	sdelay $0x1  }
0xec: {  	v16 =	vadd.s32 v17, v16  }
0xed: {  	[tilespmem:$0x4F0] =	vst v16  }
0xee: {  	[tilespmem:s31], [sflag:$0x8] =	stream.indirect.gather [spmem:s1], $0x100, s30, s19, $0xb8;
	[tilespmem:$0x12C80] =	vst v63  }
0xef: {  	_ =	swait.ge [sflag:s0], $0x4000  }
0xf0: {  	p1 =	seq.s32 s6, $0xF80;
	[sflag:s0] =	ssyncset.done $0x0  }
0xf1: {  	s8 =	sadd.s32 $0xFFFFE800, s4;
	s7 =	simm.s32 @p1 $0x6;
	[sflag:s0] =	ssyncadd.s32 $0xFFFFC000  }
0xf2: {  	[hbm4b:s8+s2] =	stream.linear.scatter [tilespmem:s21], [sflag:$0x9], $0x4000, $0x38;
	[tilespmem:$0x12C80] =	vst v63  }
0xf3: {  	_ =	swait.ge @p1 [sflag:s7], $0x4000  }
0xf4: {  	s14 =	simm.s32 @p1 $0x4500;
	[sflag:s7] =	ssyncset.done @p1 $0x0  }
0xf5: {  	s8 =	simm.s32 @p1 $0x0;
	[sflag:s7] =	ssyncadd.s32 @p1 $0xFFFFC000;
	s7 =	sadd.s32 @p1 $0xFFFFF000, s4  }
0xf6: {  	[hbm4b:s7+s8] =	stream.linear.scatter @p1 [tilespmem:s14], [sflag:$0xA], $0x4000, $0x38;
	[tilespmem:$0x12C80] =	vst v63  }
0xf7: {  	s7 =	sadd.s32 @!p1 s6, s12;
	s8 =	simm.s32 @!p1 $0x0  }
0xf8: {  	[tilespmem:s8], [sflag:$0x1] =	stream.linear.gather @!p1 [hbm4b:s7+s8], $0x100, $0x38;
	[tilespmem:$0x12C80] =	vst v63  }
0xf9: {  	s7 =	simm.s32 @!p1 $0x6  }
0xfa: {  	_ =	swait.ge @!p1 [sflag:s7], $0x4000  }
0xfb: {  	[sflag:s7] =	ssyncset.done @!p1 $0x0  }
0xfc: {  	s14 =	simm.s32 @!p1 $0x4500;
	[sflag:s7] =	ssyncadd.s32 @!p1 $0xFFFFC000;
	s7 =	sadd.s32 @!p1 $0xFFFFF000, s4  }
0xfd: {  	[hbm4b:s7+s8] =	stream.linear.scatter @!p1 [tilespmem:s14], [sflag:$0xA], $0x4000, $0x38;
	[tilespmem:$0x12C80] =	vst v63  }
0xfe: {  	s7 =	sadd.s32 @!p1 s6, s11;
	s14 =	simm.s32 @!p1 $0x100  }
0xff: {  	[tilespmem:s14], [sflag:$0x2] =	stream.linear.gather @!p1 [hbm4b:s7+s8], $0x100, $0x38;
	[tilespmem:$0x12C80] =	vst v63  }
0x100: {  	p1 =	sne.s32 s6, $0xF80  }
.Ltmp2:
0x101: {  	_ = 	snop;
	(pc) =	sbr.rel @!p1 .LBB2_3-.Ltmp2, $4  }
0x102: {  	_ =	swait.ge [sflag:s3], $0x4000  }
0x103: {  	[sflag:s3] =	ssyncset.done $0x0  }
0x104: {  	s14 =	sadd.s32 $0xFFFFF800, s4;
	[sflag:s3] =	ssyncadd.s32 $0xFFFFC000  }
0x105: {  	[hbm4b:s14+s2] =	stream.linear.scatter [tilespmem:s28], [sflag:$0xB], $0x4000, $0x38;
	[tilespmem:$0x12C80] =	vst v63  }
0x106: {  	s7 =	sadd.s32 s6, s10;
	s14 =	sadd.s32 s6, s9;
	s6 =	sadd.s32 $0x80, s6  }
0x107: {  	[tilespmem:s16], [sflag:$0x3] =	stream.linear.gather [hbm4b:s7+s2], $0x100, $0x38;
	[tilespmem:$0x12C80] =	vst v63  }
0x108: {  	p1 =	sne.s32 s6, $0x1000;
	_ =	swait.ge [sflag:s5], $0x4000  }
.Ltmp3:
0x109: {  	[sflag:s5] =	ssyncset.done $0x0;
	(pc) =	sbr.rel @p1 .LBB2_2-.Ltmp3, $4  }
.Ltmp4:
0x10a: {  	[sflag:s5] =	ssyncadd.s32 $0xFFFFC000;
	(pc) =	sbr.rel @!p1 .LBB2_5-.Ltmp4, $4  }
0x10b: {  	[hbm4b:s4+s2] =	stream.linear.scatter [tilespmem:s31], [sflag:$0xC], $0x4000, $0x38;
	[tilespmem:$0x12C80] =	vst v63  }
0x10c: {  	s4 =	sadd.s32 $0x2000, s4  }
0x10d: {  	[tilespmem:s17], [sflag:$0x4] =	stream.linear.gather [hbm4b:s14+s2], $0x100, $0x38;
	[tilespmem:$0x12C80] =	vst v63  }
0x10e: {  	_ = 	snop  }
.LBB2_6:
0x10f: {  	_ =	sfence.sel $0x180000  }
0x110: {  	[bflag:$0x0] =	sbarrier.arrive $0xFFFF  }
0x111: {  	_ =	strace $0x90000047  }
0x112: {  	[bflag:$0x2] =	sbarrier.arrive $0xFFFF  }
0x113: {  	s0 =	rddreg [dreg:$0x3]  }
0x114: {  	s0 =	sadd.s32 @!p0 $0x100000, s0  }
0x115: {  	[sflag:s0] =	ssyncadd.tile.s32 @!p0 $0x1;
	_ =	shalt  }
.Lfunc_end2:
_tile_overlayer_lowered:
.L_overlay_start_2:
0x116: {  	(tag) =	ssettag $0x2  }
0x117: {  	s0 =	rddreg [dreg:$0x0];
	s2 =	stileid.u32  }
0x118: {  	s1 =	rddreg [dreg:$0x1];
	p0 =	sne.s32 s2, $0x0  }
0x119: {  	s3 =	rddreg [dreg:$0x2];
	[bflag:$0x3] =	sbarrier.arrive $0xFFFF;
	s2 =	simm.s32 @!p0 $0x1C0D  }
0x11a: {  	[timem:s3], [sflag:s2] =	dma.local @!p0 [hbm:s0], s1  }
0x11b: {  	s0 =	simm.s32 @!p0 $0xD  }
0x11c: {  	_ =	swait.ge @!p0 [sflag:s0], s1  }
0x11d: {  	s1 =	ssub.s32 @!p0 $0x0, s1;
	[sflag:s0] =	ssyncset.done @!p0 $0x0  }
0x11e: {  	[sflag:s0] =	ssyncadd.s32 @!p0 s1  }
0x11f: {  	[bflag:$0x3] =	sbarrier.arrive $0xFFFF  }
0x120: {  	_ =	shalt  }

// kernel: sparse-core-data-format-call.cloned.1.call-start
scs
called_computation_lowered:
.L_overlay_start_0:
0x0: {  	s2 =	sld [smem:$0x3FD9]  }
0x1: {  	s3 =	sld [smem:$0x3FFE];
	_ =	sdelay $0x1  }
0x2: {  	s1 =	srdreg.scid  }
0x3: {  	s0 =	sand.u32 $0x1, s1  }
0x4: {  	s18 =	sshll.u32 s0, $0xA;
	s2 =	sadd.s32 s3, s2  }
0x5: {  	s2 =	sadd.s32 s2, s18  }
0x6: {  	[smem:$0x3FC6] =	sst s2  }
0x7: {  	_ = 	snop  }
0x8: {  	s2 =	sld [smem:$0x3FD0];
	(tm) =	ssettm $0x1  }
0x9: {  	s19 =	sld [smem:$0x3FFB];
	_ =	sdelay $0x3  }
0xa: {  	_ =	strace s19  }
0xb: {  	s3 =	sld [smem:$0x3FFC];
	_ =	sdelay $0x3  }
0xc: {  	_ =	strace s3  }
0xd: {  	s3 =	sld [smem:$0x3FFD];
	_ =	sdelay $0x3  }
0xe: {  	_ =	strace s3  }
0xf: {  	_ =	strace $0x8FFFFFFF  }
0x10: {  	s20 =	sld [smem:$0x3FDB];
	_ =	sdelay $0x1  }
0x11: {  	s4 =	simm.s32 $_scs_section_size  }
0x12: {  	s5 =	simm.s32 $_size__tile_overlayer_lowered;
	s6 =	simm.s32 $_tile_overlayer_lowered  }
0x13: {  	s23 =	simm.s32 $0x1BFF;
	s22 =	sshll.u32 s6, $0x1;
	s3 =	sadd.s32 s4, s20  }
0x14: {  	s7 =	simm.s32 $0x0;
	s21 =	sshll.u32 s5, $0x1;
	s5 =	sadd.s32 s22, s3  }
0x15: {  	[timem:s7], [sflag:s23] =	dma.local [hbm:s5], s21  }
0x16: {  	_ =	swait.ge [sflag:s23], s21  }
0x17: {  	s4 =	ssub.s32 $0x0, s21;
	[sflag:s23] =	ssyncset.done $0x0  }
0x18: {  	[sflag:s23] =	ssyncadd.s32 s4;
	_ =	sdelay $0x1  }
0x19: {  	s24 =	simm.s32 $0x1B8B  }
0x1a: {  	_ =	swait.ge [sflag:s24], $0x1  }
0x1b: {  	[sflag:s24] =	ssyncset.done $0x0  }
0x1c: {  	s26 =	simm.s32 $0x1B8E;
	s25 =	sld [smem:$0x3FFE];
	[sflag:s24] =	ssyncadd.s32 $0xFFFFFFFF  }
0x1d: {  	s27 =	simm.s32 $execute0_lowered;
	[smem:$0x3FD2] =	sst s26  }
0x1e: {  	s5 =	sshll.u32 s27, $0x1;
	_ =	strace $0x80000049;
	[dreg:$0x1] =	wrdreg $0xFFFFFFFF  }
0x1f: {  	s28 =	simm.s32 $_size_execute0_lowered;
	s3 =	sadd.s32 s3, s5;
	[dreg:$0x0] =	wrdreg $0x0  }
0x20: {  	s5 =	sshll.u32 s28, $0x1;
	[dreg:$0x2] =	wrdreg s3  }
0x21: {  	[dreg:$0x3] =	wrdreg s5  }
0x22: {  	[dreg:$0x4] =	wrdreg $0xC0  }
0x23: {  	_ =	task [dreg:s7], $0x5FFFF  }
0x24: {  	[dreg:$0x1] =	wrdreg $0xFFFFFFFF  }
0x25: {  	[dreg:$0x0] =	wrdreg $0x60  }
0x26: {  	[dreg:$0x2] =	wrdreg s25  }
0x27: {  	[dreg:$0x3] =	wrdreg s2  }
0x28: {  	[dreg:$0x4] =	wrdreg $0x9  }
0x29: {  	_ =	task.clear_ibuf [dreg:s7], $0x5FFFF;
	_ =	strace $0x90000049  }
0x2a: {  	s29 =	simm.s32 $0x9;
	_ =	strace $0x8000004B  }
0x2b: {  	_ =	swait.ge [sflag:s29], $0x1  }
0x2c: {  	[sflag:s29] =	ssyncadd.s32 $0xFFFFFFFF  }
0x2d: {  	_ =	strace $0x9000004B  }
0x2e: {  	_ =	sfence  }
0x2f: {  	s30 =	sld [smem:$0x0];
	_ =	sdelay $0x2  }
0x30: {  	s31 =	sshll.u32 s1, $0xD;
	s1 =	sshrl.u32 s1, $0x2  }
0x31: {  	s3 =	sand.u32 $0x4000, s31;
	s1 =	sadd.s32 s1, s30  }
0x32: {  	s0 =	sor.u32 s3, s0;
	s1 =	sshll.u32 s1, $0x11  }
0x33: {  	s0 =	sor.u32 s1, s0  }
0x34: {  	s0 =	sadd.s32 $0x8F2B, s0  }
0x35: {  	[sflag:s0] =	ssyncadd.remote.s32 $0x1  }
0x36: {  	_ =	sfence.sel $0xFFFF  }
0x37: {  	[dreg:$0x0] =	wrdreg $0xFFFFFFFF;
	(pc) =	sbr.abs _section_cstart, $3  }
0x38: {  	[dreg:$0x1] =	wrdreg $0xFFFFFFFF  }
0x39: {  	_ =	task.clear_ibuf [dreg:s7], $0x2FFFF;
	_ =	strace $0x9FFFFFFF  }
0x3a: {  	(tm) =	ssettm $0x7FFFFFFF  }
0x3b: {  	_ =	shalt  }
tec
execute0_lowered:
.L_overlay_start_1:
0x0: {  	(tag) =	ssettag $0x1  }
0x1: {  	s0 =	srdreg.scid  }
0x2: {  	s1 =	sshll.u32 s0, $0x4  }
0x3: {  	s7 =	rddreg [dreg:$0x0];
	s0 =	stileid.u32;
	s1 =	sand.u32 $0x10, s1  }
0x4: {  	s2 =	rddreg [dreg:$0x1];
	s4 =	simm.s32 $0x1;
	s1 =	sor.u32 s0, s1  }
0x5: {  	s8 =	simm.s32 $0x0;
	s9 =	simm.s32 $0x2;
	s3 =	sshll.u32 s1, $0x1  }
0x6: {  	s13 =	simm.s32 $0x0;
	s14 =	simm.s32 $0x0;
	s6 =	ssub.s32 $0x80, s3  }
0x7: {  	s10 =	simm.s32 $0x0;
	s1 =	rddreg [dreg:$0x2];
	s5 =	sand.u32 $0x3E, s6  }
.Ltmp0:
0x8: {  	_ =	strace $0x8000004A;
	p0 =	seq.s32 s5, $0x0;
	(pc) =	sbr.rel .LBB1_1-.Ltmp0, $4  }
0x9: {  	s12 =	simm.s32 $0x0;
	[sflag:s4] =	ssyncpa.u1 $0x0;
	s8 =	simm.s32 @!p0 $0x40  }
0xa: {  	s11 =	smov.u32 s3;
	[sflag:s9] =	ssyncpa.u1 $0x0;
	s6 =	sadd.s32 s6, s8  }
0xb: {  	s9 =	simm.s32 $0x10000;
	s5 =	sadd.s32 $0x800, s7;
	s6 =	sand.u32 $0x1C0, s6  }
0xc: {  	s7 =	sadd.s32 $0x20800, s7;
	p0 =	por $0x0, $0x0;
	s8 =	sor.u32 $0x1, s6  }
.LBB1_7:
0xd: {  	s15 =	sadd.s32 $0x80, s10  }
0xe: {  	s13 =	sadd.s32 $0x40, s11;
	s17 =	smov.u32 s11;
	p2 =	sgt.s32 s15, $0x1FFF  }
0xf: {  	s17 =	smov.u32 @p2 s13  }
0x10: {  	s15 =	simm.s32 @p2 $0x0;
	p2 =	sgt.s32 s17, $0x7F  }
0x11: {  	s17 =	smov.u32 @p2 s3;
	p2 =	sne.s32 s12, s8  }
.Ltmp1:
0x12: {  	p1 =	slt.u32 s12, $0x2;
	(pc) =	sbr.rel @!p2 .LBB1_8-.Ltmp1, $4  }
0x13: {  	s16 =	simm.s32 @!p1 $0x2  }
0x14: {  	s14 =	smov.u32 s11;
	p0 =	por !p0, !p0;
	_ =	swait.ge @!p1 [sflag:s16], $0x4000  }
0x15: {  	s13 =	smov.u32 s10;
	[sflag:s16] =	ssyncset.done @!p1 $0x0;
	s10 =	smov.u32 s15  }
0x16: {  	s12 =	sadd.s32 $0x1, s12;
	[sflag:s16] =	ssyncadd.s32 @!p1 $0xFFFFC000;
	s11 =	smov.u32 s17  }
.LBB1_1:
0x17: {  	p1 =	sge.u32 s12, s6  }
0x18: {  	s15 =	sxor.u32 @!p1 $0xFFFFFFFF, s12;
	s16 =	sshll.u32 @!p1 s11, $0x11  }
0x19: {  	s17 =	sshll.u32 @!p1 s10, $0x4;
	s19 =	simm.s32 @!p1 $0x40;
	s20 =	simm.s32 @!p1 $0x80  }
0x1a: {  	s15 =	sshll.u32 @!p1 s15, $0xE;
	s17 =	sand.u32 @!p1 $0x1FFF0, s17;
	s18 =	sadd.s32 @!p1 s5, s16  }
0x1b: {  	s16 =	sadd.s32 @!p1 s16, s7;
	s15 =	sand.u32 @!p1 $0x4000, s15;
	s18 =	sadd.s32 @!p1 s17, s18  }
0x1c: {  	[tilespmem:s15], [sflag:$0x1] =	stream.strided.gather @!p1 [hbm4b:s18+s19], $0x2000, s20, s19, $0x38;
	[tilespmem:$0x10100] =	vst v63  }
0x1d: {  	s31 =	sadd.s32 $0xFFFFFFFF, s12;
	s16 =	sadd.s32 @!p1 s17, s16;
	s15 =	sor.u32 @!p1 $0x2000, s15  }
0x1e: {  	[tilespmem:s15], [sflag:$0x1] =	stream.strided.gather @!p1 [hbm4b:s16+s19], $0x2000, s20, s19, $0x38;
	[tilespmem:$0x10100] =	vst v63  }
0x1f: {  	p1 =	sge.u32 s31, s6  }
.Ltmp2:
0x20: {  	_ = 	snop;
	(pc) =	sbr.rel @p1 .LBB1_7-.Ltmp2, $1  }
0x21: {  	_ =	sdelay $0x3  }
0x22: {  	s15 =	simm.s32 $0x1;
	s17 =	sand.u32 $0x1, s12  }
0x23: {  	_ =	swait.ge [sflag:s4], $0x4000;
	s15 =	simm.s32 @!p0 $0x0;
	s17 =	smul.u32 $0x10200, s17  }
0x24: {  	p2 =	por $0x1, $0x1;
	[sflag:s4] =	ssyncset.done $0x0;
	s16 =	smul.u32 $0x10200, s15  }
0x25: {  	s18 =	sshll.u32 s15, $0x10;
	[sflag:s4] =	ssyncadd.s32 $0xFFFFC000;
	s30 =	sshrl.u32 s17, $0x2  }
0x26: {  	s31 =	sshrl.u32 s18, $0x2;
	s18 =	simm.s32 $0x0;
	s16 =	sshrl.u32 s16, $0x2  }
0x27: {  	s15 =	sor.u32 $0x8000, s30;
	s17 =	sadd.s32 $0x20, s31;
	s16 =	sor.u32 $0x8000, s16  }
.LBB1_3:
0x28: {  	s19 =	sshll.u32 s18, $0xD  }
0x29: {  	s19 =	sand.u32 $0x3FFFE000, s19  }
0x2a: {  	s21 =	sadd.s32 s19, s17  }
0x2b: {  	s31 =	smul.u32 $0x8100, s18;
	v3 =	vld [tilespmem:s21+$0x10]  }
0x2c: {  	v1 =	vld [tilespmem:s21+$0xFFFFFFF0]  }
0x2d: {  	s18 =	sshra.s32 s31, $0x2;
	v0 =	vld [tilespmem:s21+$0x0]  }
0x2e: {  	s18 =	sadd.s32 s18, s16;
	v2 =	vld [tilespmem:s21+$0xFFFFFFE0]  }
0x2f: {  	s19 =	sadd.s32 $0x0, s18  }
0x30: {  	p1 =	por p2, p2;
	s20 =	simm.s32 $0x4;
	s21 =	sadd.s32 $0x40, s21;
	[tilespmem:s19+$0x1830 ss:$0x81] =	vst.msk $0xffff, v3  }
.LBB1_4:
0x31: {  	v3 =	vld [tilespmem:s21+$0x10];
	p2 =	sne.s32 s20, $0x1FC;
	[tilespmem:s19+$0x810 ss:$0x81] =	vst.msk $0xffff, v1;
	s22 =	smov.u32 s20;
	s20 =	sadd.s32 $0x4, s20  }
.Ltmp3:
0x32: {  	v1 =	vld [tilespmem:s21+$0xFFFFFFF0];
	[tilespmem:s19+$0x1020 ss:$0x81] =	vst.msk $0xffff, v0;
	(pc) =	sbr.rel @p2 .LBB1_4-.Ltmp3, $4  }
0x33: {  	v0 =	vld [tilespmem:s21+$0x0];
	[tilespmem:s19+$0x0 ss:$0x81] =	vst.msk $0xffff, v2  }
0x34: {  	s19 =	sshra.s32 s22, $0x2;
	v2 =	vld [tilespmem:s21+$0xFFFFFFE0]  }
0x35: {  	s19 =	sadd.s32 s19, s18  }
0x36: {  	s21 =	sadd.s32 $0x40, s21;
	[tilespmem:s19+$0x1830 ss:$0x81] =	vst.msk $0xffff, v3  }
.Ltmp4:
0x37: {  	(pc) =	sbr.rel @p1 .LBB1_3-.Ltmp4, $4  }
0x38: {  	_ = 	snop  }
0x39: {  	[tilespmem:s19+$0x810 ss:$0x81] =	vst.msk $0xffff, v1  }
0x3a: {  	[tilespmem:s19+$0x1020 ss:$0x81] =	vst.msk $0xffff, v0  }
0x3b: {  	s18 =	simm.s32 $0x1;
	p2 =	por $0x0, $0x0;
	[tilespmem:s19+$0x0 ss:$0x81] =	vst.msk $0xffff, v2  }
0x3c: {  	s16 =	sshll.u32 s13, $0x3;
	s17 =	sand.u32 $0x78, s13;
	s14 =	sshll.u32 s14, $0x10  }
.Ltmp5:
0x3d: {  	s30 =	sand.u32 $0xFC00, s13;
	s16 =	sand.u32 $0x1C00, s16;
	(pc) =	sbr.rel .LBB1_7-.Ltmp5, $4  }
0x3e: {  	s31 =	sand.u32 $0x7, s13;
	s14 =	sadd.s32 s2, s14;
	s16 =	sor.u32 s17, s16  }
0x3f: {  	s13 =	sshll.u32 s31, $0x12;
	s14 =	sadd.s32 s30, s14;
	s16 =	sshrl.u32 s16, $0x3  }
0x40: {  	s13 =	sor.u32 $0x400, s13;
	s14 =	sadd.s32 s16, s14  }
0x41: {  	[hbm4b:s14+s13] =	stream.strided.scatter [tilespmem:s15], [sflag:$0x2], $0x4000, s9, s13, $0x20;
	[tilespmem:$0x10100] =	vst v63  }
.LBB1_8:
0x42: {  	_ =	sfence.sel $0x180000  }
0x43: {  	s2 =	simm.s32 $0x1;
	[bflag:$0x0] =	sbarrier.arrive $0xFFFF  }
0x44: {  	s31 =	simm.s32 $0x2;
	[sflag:s2] =	ssyncpa.u1 $0x1  }
0x45: {  	[sflag:s31] =	ssyncpa.u1 $0x1  }
0x46: {  	p0 =	sne.s32 s0, $0x0;
	_ =	strace $0x9000004A  }
0x47: {  	s0 =	sadd.s32 @!p0 $0x100000, s1;
	[bflag:$0x2] =	sbarrier.arrive $0xFFFF  }
0x48: {  	[sflag:s0] =	ssyncadd.tile.s32 @!p0 $0x1;
	_ =	shalt  }
.Lfunc_end1:
_tile_overlayer_lowered:
.L_overlay_start_2:
0x49: {  	(tag) =	ssettag $0x2  }
0x4a: {  	s0 =	rddreg [dreg:$0x0];
	s2 =	stileid.u32  }
0x4b: {  	s1 =	rddreg [dreg:$0x1];
	p0 =	sne.s32 s2, $0x0  }
0x4c: {  	s3 =	rddreg [dreg:$0x2];
	[bflag:$0x3] =	sbarrier.arrive $0xFFFF;
	s2 =	simm.s32 @!p0 $0x1C01  }
0x4d: {  	[timem:s3], [sflag:s2] =	dma.local @!p0 [hbm:s0], s1  }
0x4e: {  	s0 =	simm.s32 @!p0 $0x1  }
0x4f: {  	_ =	swait.ge @!p0 [sflag:s0], s1  }
0x50: {  	s1 =	ssub.s32 @!p0 $0x0, s1;
	[sflag:s0] =	ssyncset.done @!p0 $0x0  }
0x51: {  	[sflag:s0] =	ssyncadd.s32 @!p0 s1  }
0x52: {  	[bflag:$0x3] =	sbarrier.arrive $0xFFFF  }
0x53: {  	_ =	shalt  }

</sc_bundles>
